<compile_context>
chip_gen: v7x
topology: tpu7x:2x2x1
jax: 0.10.2.dev20260603
libtpu: 0.0.44.dev20260713+nightly
codegen_flags: <defaults>
</compile_context>

<pallas_src>
import functools

import jax
import jax.numpy as jnp
from jax import lax
from jax.experimental import pallas as pl
from jax.experimental.pallas import tpu as pltpu
from jax.experimental.pallas import tpu_sc as plsc

H = 1024
HH = H // 2
I = 512
E = 8
NG = 4
T = 2048
BLK = 512
LOG_BLK = 9
NBLK = 16
NSLOT = NBLK * BLK
NTILES = 32
RCH = 128


def _pack_bf16(lo_f32, hi_f32):
    lo = lax.bitcast_convert_type(lo_f32.astype(jnp.bfloat16),
                                  jnp.uint16).astype(jnp.uint32)
    hi = lax.bitcast_convert_type(hi_f32.astype(jnp.bfloat16),
                                  jnp.uint16).astype(jnp.uint32)
    return lax.bitcast_convert_type(lo | (hi << 16), jnp.int32)


def _unpack_bf16(p):
    lo = lax.bitcast_convert_type(p << 16, jnp.float32)
    hi = lax.bitcast_convert_type(p & jnp.int32(-65536), jnp.float32)
    return lo, hi


def _routing_kernel(x_ref, scores_ref, eb_ref, w2_ref, s2_ref, be_ref,
                    xp_ref):
    x = x_ref[...]
    scores = scores_ref[...].T
    sfc = scores + eb_ref[...]
    s = [sfc[e:e + 1, :] for e in range(E)]
    sc = [scores[e:e + 1, :] for e in range(E)]
    g = [s[2 * i] + s[2 * i + 1] for i in range(NG)]
    gsel = []
    for i in range(NG):
        r = jnp.zeros_like(g[0])
        for j in range(NG):
            if j == i:
                continue
            beats = (g[j] > g[i]) | ((g[j] == g[i]) & (j < i))
            r = r + beats.astype(jnp.float32)
        gsel.append(r < 2.0)
    tmp = [jnp.where(gsel[e // 2], s[e], 0.0) for e in range(E)]
    esel = []
    for e in range(E):
        r = jnp.zeros_like(g[0])
        for e2 in range(E):
            if e2 == e:
                continue
            beats = (tmp[e2] > tmp[e]) | ((tmp[e2] == tmp[e]) & (e2 < e))
            r = r + beats.astype(jnp.float32)
        esel.append(r < 2.0)
    w = [jnp.where(esel[e], sc[e], 0.0) for e in range(E)]
    wsum = w[0]
    for e in range(1, E):
        wsum = wsum + w[e]
    inv = 1.0 / (wsum + 1e-20)
    wn = [w[e] * inv for e in range(E)]
    sel_f = [esel[e].astype(jnp.float32) for e in range(E)]
    sel_mat = jnp.concatenate(sel_f, axis=0)

    CH = 256
    iot_r = lax.broadcasted_iota(jnp.int32, (CH, CH), 0)
    iot_c = lax.broadcasted_iota(jnp.int32, (CH, CH), 1)
    tril = (iot_r < iot_c).astype(jnp.float32)
    ones_ch = jnp.ones((CH, 1), jnp.float32)
    carry = jnp.zeros((E, 1), jnp.float32)
    rank_chunks = []
    for cidx in range(T // CH):
        blk = sel_mat[:, cidx * CH:(cidx + 1) * CH]
        rank_chunks.append(
            lax.dot_general(blk, tril, (((1,), (0,)), ((), ())),
                            preferred_element_type=jnp.float32) + carry)
        carry = carry + lax.dot_general(blk, ones_ch, (((1,), (0,)), ((), ())),
                                        preferred_element_type=jnp.float32)
    rank_f = jnp.concatenate(rank_chunks, axis=1)
    counts = carry
    c_i = counts.astype(jnp.int32)
    pc = ((c_i + BLK - 1) >> LOG_BLK) << LOG_BLK
    e_r = lax.broadcasted_iota(jnp.int32, (E, E), 0)
    e_c = lax.broadcasted_iota(jnp.int32, (E, E), 1)
    tril8 = (e_c < e_r).astype(jnp.float32)
    off = lax.dot_general(tril8, pc.astype(jnp.float32),
                          (((1,), (0,)), ((), ())),
                          preferred_element_type=jnp.float32
                          ).astype(jnp.int32)
    rank_i = rank_f.astype(jnp.int32)

    slot_f = (off + rank_i).astype(jnp.float32)
    cb = jnp.zeros((1, T), jnp.float32)
    slotA = jnp.zeros((1, T), jnp.float32)
    slotB = jnp.zeros((1, T), jnp.float32)
    wA = jnp.zeros((1, T), jnp.float32)
    wB = jnp.zeros((1, T), jnp.float32)
    for e in range(E):
        f = sel_f[e]
        first = f * (cb == 0.0).astype(jnp.float32)
        second = f * (cb == 1.0).astype(jnp.float32)
        row = slot_f[e:e + 1, :]
        slotA = slotA + first * row
        slotB = slotB + second * row
        wA = wA + first * wn[e]
        wB = wB + second * wn[e]
        cb = cb + f
    s2_ref[...] = jnp.concatenate([slotA, slotB], axis=0).astype(jnp.int32)
    zero = jnp.zeros((1, T), jnp.float32)
    w2_t = jnp.concatenate([wA, wB] + [zero] * (E - 2), axis=0)
    w2_ref[...] = w2_t.T

    bidx = lax.broadcasted_iota(jnp.int32, (E, 64), 1)
    boff = off >> LOG_BLK
    ge = (bidx >= boff).astype(jnp.int32)
    cnt = jnp.sum(ge, axis=0, keepdims=True)
    be_row = jnp.clip(cnt - 1, 0, E - 1)
    nb = jnp.sum(pc, axis=0, keepdims=True) >> LOG_BLK
    bi1 = lax.broadcasted_iota(jnp.int32, (1, 64), 1)
    be_row = jnp.where(bi1 == 63, nb, be_row)
    be_ref[...] = be_row + jnp.zeros((E, 64), jnp.int32)

    xp_ref[...] = _pack_bf16(x[:, :HH], x[:, HH:])


def _build_dispatch():
    mesh = plsc.VectorSubcoreMesh(core_axis_name="c", subcore_axis_name="s")
    rows_per = (2 * T) // NTILES

    @functools.partial(
        pl.kernel,
        mesh=mesh,
        out_type=jax.ShapeDtypeStruct((NSLOT, HH), jnp.int32),
        scratch_types=[
            pltpu.VMEM((2, RCH // 2), jnp.int32),
            pltpu.VMEM((RCH, HH), jnp.int32),
            pltpu.SemaphoreType.DMA,
            pltpu.SemaphoreType.DMA,
        ],
    )
    def _dispatch(s2_hbm, x_hbm, disp_hbm, idx_v, rows_v, ld_sem, st_sem):
        c = lax.axis_index("c")
        s = lax.axis_index("s")
        wid = s * 2 + c
        flat0 = pl.multiple_of(wid * rows_per, rows_per)
        t0 = pl.multiple_of(flat0 & (T - 1), rows_per)
        hch = RCH // 2
        pltpu.sync_copy(s2_hbm.at[pl.ds(wid * 2, 2)], idx_v)
        loads = [pltpu.async_copy(
            x_hbm.at[pl.ds(t0 + j * hch, hch)],
            rows_v.at[pl.ds(j * hch, hch)], ld_sem) for j in range(2)]
        stores = []
        for j in range(2):
            loads[j].wait()
            stores.append(pltpu.async_copy(
                rows_v.at[pl.ds(j * hch, hch)],
                disp_hbm.at[idx_v.at[j]], st_sem))
        for st in stores:
            st.wait()

    return _dispatch


def _build_gather():
    mesh = plsc.VectorSubcoreMesh(core_axis_name="c", subcore_axis_name="s")
    rows_per = (2 * T) // NTILES

    @functools.partial(
        pl.kernel,
        mesh=mesh,
        out_type=jax.ShapeDtypeStruct((2 * T, HH), jnp.int32),
        scratch_types=[
            pltpu.VMEM((2, RCH // 2), jnp.int32),
            pltpu.VMEM((RCH, HH), jnp.int32),
            pltpu.SemaphoreType.DMA,
            pltpu.SemaphoreType.DMA,
        ],
    )
    def _gather(idx_hbm, tab_hbm, out_hbm, idx_v, rows_v, g_sem, st_sem):
        c = lax.axis_index("c")
        s = lax.axis_index("s")
        wid = s * 2 + c
        base = pl.multiple_of(wid * rows_per, rows_per)
        hch = RCH // 2
        pltpu.sync_copy(idx_hbm.at[pl.ds(wid * 2, 2)], idx_v)
        gathers = [pltpu.async_copy(
            tab_hbm.at[idx_v.at[j]],
            rows_v.at[pl.ds(j * hch, hch)], g_sem) for j in range(2)]
        stores = []
        for j in range(2):
            gathers[j].wait()
            stores.append(pltpu.async_copy(
                rows_v.at[pl.ds(j * hch, hch)],
                out_hbm.at[pl.ds(base + j * hch, hch)], st_sem))
        for st in stores:
            st.wait()

    return _gather


@functools.lru_cache(maxsize=None)
def _sc_kernels():
    return (_build_dispatch(), _build_gather())


def _sc_dispatch(s2_chunked, xp):
    return _sc_kernels()[0](s2_chunked, xp)


def _s3_gather(s2_chunked, yp):
    return _sc_kernels()[1](s2_chunked, yp)


def _ffn_sparse_kernel(be_ref, disp_ref, wg_ref, wu_ref, wd_ref, y_ref):
    b = pl.program_id(0)
    nb = be_ref[63]

    @pl.when(b < nb)
    def _():
        xlo_f, xhi_f = _unpack_bf16(disp_ref[...])
        xlo = xlo_f.astype(jnp.bfloat16)
        xhi = xhi_f.astype(jnp.bfloat16)
        wg = wg_ref[0]
        wu = wu_ref[0]
        hg = (lax.dot_general(xlo, wg[:, :HH].astype(jnp.bfloat16),
                              (((1,), (1,)), ((), ())),
                              preferred_element_type=jnp.float32) +
              lax.dot_general(xhi, wg[:, HH:].astype(jnp.bfloat16),
                              (((1,), (1,)), ((), ())),
                              preferred_element_type=jnp.float32))
        hu = (lax.dot_general(xlo, wu[:, :HH].astype(jnp.bfloat16),
                              (((1,), (1,)), ((), ())),
                              preferred_element_type=jnp.float32) +
              lax.dot_general(xhi, wu[:, HH:].astype(jnp.bfloat16),
                              (((1,), (1,)), ((), ())),
                              preferred_element_type=jnp.float32))
        inter = (hg * jax.nn.sigmoid(hg)) * hu
        y = lax.dot_general(inter.astype(jnp.bfloat16),
                            wd_ref[0].astype(jnp.bfloat16),
                            (((1,), (1,)), ((), ())),
                            preferred_element_type=jnp.float32)
        y_ref[...] = _pack_bf16(y[:, :HH], y[:, HH:])


def _final_kernel(xp_ref, wsg_ref, wsu_ref, wsd_ref, y2_ref, w2_ref, out_ref):
    xlo_f, xhi_f = _unpack_bf16(xp_ref[...])
    xlo = xlo_f.astype(jnp.bfloat16)
    xhi = xhi_f.astype(jnp.bfloat16)
    wsg = wsg_ref[...]
    wsu = wsu_ref[...]
    hg = (lax.dot_general(xlo, wsg[:, :HH].astype(jnp.bfloat16),
                          (((1,), (1,)), ((), ())),
                          preferred_element_type=jnp.float32) +
          lax.dot_general(xhi, wsg[:, HH:].astype(jnp.bfloat16),
                          (((1,), (1,)), ((), ())),
                          preferred_element_type=jnp.float32))
    hu = (lax.dot_general(xlo, wsu[:, :HH].astype(jnp.bfloat16),
                          (((1,), (1,)), ((), ())),
                          preferred_element_type=jnp.float32) +
          lax.dot_general(xhi, wsu[:, HH:].astype(jnp.bfloat16),
                          (((1,), (1,)), ((), ())),
                          preferred_element_type=jnp.float32))
    inter = (hg * jax.nn.sigmoid(hg)) * hu
    sh = lax.dot_general(inter.astype(jnp.bfloat16),
                         wsd_ref[...].astype(jnp.bfloat16),
                         (((1,), (1,)), ((), ())),
                         preferred_element_type=jnp.float32)
    loA, hiA = _unpack_bf16(y2_ref[0])
    loB, hiB = _unpack_bf16(y2_ref[1])
    wA = w2_ref[:, 0:1]
    wB = w2_ref[:, 1:2]
    out_ref[:, :HH] = sh[:, :HH] + loA * wA + loB * wB
    out_ref[:, HH:] = sh[:, HH:] + hiA * wA + hiB * wB


def kernel(hidden_states, gate_w, e_bias, gate_proj, up_proj, down_proj,
           shared_gate_w, shared_up_w, shared_down_w):
    b, ss, h = hidden_states.shape
    x = hidden_states.reshape(T, H)

    logits = x @ gate_w.T
    scores = jax.nn.sigmoid(logits)

    w2, s2, be_out, xp = pl.pallas_call(
        _routing_kernel,
        out_shape=(
            jax.ShapeDtypeStruct((T, E), jnp.float32),
            jax.ShapeDtypeStruct((2, T), jnp.int32),
            jax.ShapeDtypeStruct((E, 64), jnp.int32),
            jax.ShapeDtypeStruct((T, HH), jnp.int32),
        ),
    )(x, scores, e_bias.reshape(E, 1))

    s2_chunked = s2.reshape(2 * T // (RCH // 2), RCH // 2)
    disp = _sc_dispatch(s2_chunked, xp)

    be_arr = be_out[0]

    grid_spec = pltpu.PrefetchScalarGridSpec(
        num_scalar_prefetch=1,
        grid=(NBLK,),
        in_specs=[
            pl.BlockSpec((BLK, HH), lambda bb, be: (bb, 0)),
            pl.BlockSpec((1, I, H), lambda bb, be: (be[bb], 0, 0)),
            pl.BlockSpec((1, I, H), lambda bb, be: (be[bb], 0, 0)),
            pl.BlockSpec((1, H, I), lambda bb, be: (be[bb], 0, 0)),
        ],
        out_specs=pl.BlockSpec((BLK, HH), lambda bb, be: (bb, 0)),
    )
    yp = pl.pallas_call(
        _ffn_sparse_kernel,
        grid_spec=grid_spec,
        out_shape=jax.ShapeDtypeStruct((NSLOT, HH), jnp.int32),
    )(be_arr, disp, gate_proj, up_proj, down_proj)

    y2 = _s3_gather(s2_chunked, yp).reshape(2, T, HH)

    out = pl.pallas_call(
        _final_kernel,
        out_shape=jax.ShapeDtypeStruct((T, H), jnp.float32),
    )(xp, shared_gate_w, shared_up_w, shared_down_w, y2, w2)

    return out.reshape(b, ss, h)

# --- scband reference (transcript-rebuilt; emitter-appended) ---
"""Pipeline reference for scband-model-new-4647154615488 (READ-ONLY COPY).

The authoritative reference and input builder live on the scoring server;
editing this copy changes nothing except your own understanding.
"""

import jax, jax.numpy as jnp
import numpy as np

HIDDEN = 1024
INTER = 512
E = 8
TOP_K = 2
N_GROUP = 4
TOPK_GROUP = 2
N_SHARED = 1
SCALE = 1.0
B, S = 1, 2048


def setup_inputs(seed: int = 0) -> dict:
    key = jax.random.key(seed)
    ks = jax.random.split(key, 9)
    hidden_states = jax.random.normal(ks[0], (B, S, HIDDEN), dtype=jnp.float32)
    gate_w = jax.random.normal(ks[1], (E, HIDDEN), dtype=jnp.float32) * (1.0 / np.sqrt(HIDDEN))
    e_bias = jnp.zeros((E,), dtype=jnp.float32)
    gate_proj = jax.random.normal(ks[2], (E, INTER, HIDDEN), dtype=jnp.float32) * 0.02
    up_proj = jax.random.normal(ks[3], (E, INTER, HIDDEN), dtype=jnp.float32) * 0.02
    down_proj = jax.random.normal(ks[4], (E, HIDDEN, INTER), dtype=jnp.float32) * 0.02
    shared_gate_w = jax.random.normal(ks[5], (INTER * N_SHARED, HIDDEN), dtype=jnp.float32) * 0.02
    shared_up_w = jax.random.normal(ks[6], (INTER * N_SHARED, HIDDEN), dtype=jnp.float32) * 0.02
    shared_down_w = jax.random.normal(ks[7], (HIDDEN, INTER * N_SHARED), dtype=jnp.float32) * 0.02
    return {
        'hidden_states': hidden_states,
        'gate_w': gate_w,
        'e_bias': e_bias,
        'gate_proj': gate_proj,
        'up_proj': up_proj,
        'down_proj': down_proj,
        'shared_gate_w': shared_gate_w,
        'shared_up_w': shared_up_w,
        'shared_down_w': shared_down_w,
    }


def _moe_forward(hidden_states, gate_w, e_bias, gate_proj, up_proj, down_proj,
                 shared_gate_w, shared_up_w, shared_down_w):
    b, s, h = hidden_states.shape
    x = hidden_states.reshape(-1, h)
    T = x.shape[0]
    # --- MoEGate ---
    logits = x.astype(jnp.float32) @ gate_w.astype(jnp.float32).T
    scores = jax.nn.sigmoid(logits)
    scores_for_choice = scores + e_bias[None, :]
    gs = scores_for_choice.reshape(T, N_GROUP, E // N_GROUP)
    group_scores = jax.lax.top_k(gs, 2)[0].sum(-1)  # (T, n_group)
    _, group_idx = jax.lax.top_k(group_scores, TOPK_GROUP)
    group_mask = jax.nn.one_hot(group_idx, N_GROUP, dtype=scores.dtype).sum(axis=1)  # (T, n_group)
    score_mask = jnp.broadcast_to(group_mask[:, :, None], (T, N_GROUP, E // N_GROUP)).reshape(T, E)
    tmp_scores = jnp.where(score_mask > 0.5, scores_for_choice, 0.0)
    _, topk_idx = jax.lax.top_k(tmp_scores, TOP_K)
    topk_weight = jnp.take_along_axis(scores, topk_idx, axis=1)
    # top_k > 1 and norm_topk_prob=True
    topk_weight = topk_weight / (topk_weight.sum(axis=-1, keepdims=True) + 1e-20)
    topk_weight = topk_weight * SCALE
    # --- combine weights per (token, expert); zero for non-selected experts ---
    combine = jnp.zeros((T, E), dtype=x.dtype).at[jnp.arange(T)[:, None], topk_idx].add(topk_weight)
    # --- expert FFN (dense compute, zero-weight experts contribute nothing) ---
    hg = jnp.einsum('th,eih->tei', x, gate_proj)
    hu = jnp.einsum('th,eih->tei', x, up_proj)
    inter = jax.nn.silu(hg) * hu
    eout = jnp.einsum('tei,ehi->teh', inter, down_proj)
    y = jnp.einsum('teh,te->th', eout, combine)
    # --- shared expert ---
    shared = (jax.nn.silu(x @ shared_gate_w.T) * (x @ shared_up_w.T)) @ shared_down_w.T
    y = y + shared
    return y.reshape(b, s, h)


def reference(hidden_states, gate_w, e_bias, gate_proj, up_proj, down_proj,
              shared_gate_w, shared_up_w, shared_down_w):
    return _moe_forward(hidden_states, gate_w, e_bias, gate_proj, up_proj, down_proj,
                        shared_gate_w, shared_up_w, shared_down_w)

if __name__ == "__main__":
    import jax
    _d = setup_inputs()
    print(jax.jit(kernel)(*tuple(_d.values())))

</pallas_src>

<mosaic_0001>
#map = affine_map<(d0, d1) -> (0, 0)>
module attributes {stable_mosaic.version = 14 : i64} {
  func.func @_dispatch(%arg0: i32, %arg1: i32, %arg2: memref<64x64xi32, #tpu.memory_space<hbm>>, %arg3: memref<2048x512xi32, #tpu.memory_space<hbm>>, %arg4: memref<8192x512xi32, #tpu.memory_space<hbm>>, %arg5: memref<2x64xi32, #tpu.memory_space<vmem>>, %arg6: memref<128x512xi32, #tpu.memory_space<vmem>>, %arg7: memref<!tpu.dma_semaphore, #tpu.memory_space<semaphore_mem>>, %arg8: memref<!tpu.dma_semaphore, #tpu.memory_space<semaphore_mem>>) attributes {dimension_semantics = [#tpu.dimension_semantics<core_parallel>, #tpu.dimension_semantics<subcore_parallel>], iteration_bounds = array<i64: 2, 16>, scalar_prefetch = 0 : i64, scratch_operands = 4 : i64, tpu.core_type = #tpu.core_type<sc_vector_subcore>, window_params = [{transform_indices = #map}, {transform_indices = #map}, {transform_indices = #map}]} {
    %mul3A = arith.constant 2 : i32
    %mul3A_0 = arith.muli %arg1, %mul3A : i32
    %add3A = arith.addi %mul3A_0, %arg0 : i32
    %mul3A_1 = arith.constant 128 : i32
    %mul3A_2 = arith.muli %add3A, %mul3A_1 : i32
    %multiple_of3A = tpu.assume_multiple %mul3A_2, 128 : i32
    %and3A = arith.constant 2047 : i32
    %and3A_3 = arith.andi %multiple_of3A, %and3A : i32
    %multiple_of3A_4 = tpu.assume_multiple %and3A_3, 128 : i32
    %mul3A_5 = arith.constant 2 : i32
    %mul3A_6 = arith.muli %add3A, %mul3A_5 : i32
    "tpu.region"() ({
      %run_scoped3A = tpu.sem_alloc : memref<!tpu.dma_semaphore, #tpu.memory_space<semaphore_mem>>
      %dma_start3A_89 = arith.constant 0 : i32
      %dma_start3A_90 = tpu.memref_slice %arg2[%mul3A_6, %dma_start3A_89] : memref<64x64xi32, #tpu.memory_space<hbm>> -> memref<2x64xi32, #tpu.memory_space<hbm>>
      %dma_start3A_91 = arith.constant 0 : i32
      %dma_start3A_92 = tpu.memref_slice %arg2[%mul3A_6, %dma_start3A_91] : memref<64x64xi32, #tpu.memory_space<hbm>> -> memref<2x64xi32, #tpu.memory_space<hbm>>
      tpu.enqueue_dma source(%dma_start3A_92 : memref<2x64xi32, #tpu.memory_space<hbm>>) target(%arg5 : memref<2x64xi32, #tpu.memory_space<vmem>>) target_semaphore(%run_scoped3A : memref<!tpu.dma_semaphore, #tpu.memory_space<semaphore_mem>>)
      %dma_wait3A_93 = arith.constant 0 : i32
      %dma_wait3A_94 = tpu.memref_slice %arg2[%mul3A_6, %dma_wait3A_93] : memref<64x64xi32, #tpu.memory_space<hbm>> -> memref<2x64xi32, #tpu.memory_space<hbm>>
      %dma_wait3A_95 = arith.constant 0 : i32
      %dma_wait3A_96 = tpu.memref_slice %arg2[%mul3A_6, %dma_wait3A_95] : memref<64x64xi32, #tpu.memory_space<hbm>> -> memref<2x64xi32, #tpu.memory_space<hbm>>
      tpu.wait_dma2 semaphore(%run_scoped3A : memref<!tpu.dma_semaphore, #tpu.memory_space<semaphore_mem>>) src(%dma_wait3A_96 : memref<2x64xi32, #tpu.memory_space<hbm>>) dst(%arg5 : memref<2x64xi32, #tpu.memory_space<vmem>>)
      tpu.yield
    }) : () -> ()
    %add3A_7 = arith.constant 0 : i32
    %add3A_8 = arith.addi %multiple_of3A_4, %add3A_7 : i32
    %dma_start3A = arith.constant 0 : i32
    %dma_start3A_9 = arith.constant 0 : i32
    %dma_start3A_10 = tpu.memref_slice %arg6[%dma_start3A, %dma_start3A_9] : memref<128x512xi32, #tpu.memory_space<vmem>> -> memref<64x512xi32, #tpu.memory_space<vmem>>
    %dma_start3A_11 = arith.constant 0 : i32
    %dma_start3A_12 = tpu.memref_slice %arg3[%add3A_8, %dma_start3A_11] : memref<2048x512xi32, #tpu.memory_space<hbm>> -> memref<64x512xi32, #tpu.memory_space<hbm>>
    %dma_start3A_13 = arith.constant 0 : i32
    %dma_start3A_14 = arith.constant 0 : i32
    %dma_start3A_15 = tpu.memref_slice %arg6[%dma_start3A_13, %dma_start3A_14] : memref<128x512xi32, #tpu.memory_space<vmem>> -> memref<64x512xi32, #tpu.memory_space<vmem>>
    %dma_start3A_16 = arith.constant 0 : i32
    %dma_start3A_17 = tpu.memref_slice %arg3[%add3A_8, %dma_start3A_16] : memref<2048x512xi32, #tpu.memory_space<hbm>> -> memref<64x512xi32, #tpu.memory_space<hbm>>
    tpu.enqueue_dma source(%dma_start3A_17 : memref<64x512xi32, #tpu.memory_space<hbm>>) target(%dma_start3A_15 : memref<64x512xi32, #tpu.memory_space<vmem>>) target_semaphore(%arg7 : memref<!tpu.dma_semaphore, #tpu.memory_space<semaphore_mem>>)
    %add3A_18 = arith.constant 64 : i32
    %add3A_19 = arith.addi %multiple_of3A_4, %add3A_18 : i32
    %dma_start3A_20 = arith.constant 64 : i32
    %dma_start3A_21 = arith.constant 0 : i32
    %dma_start3A_22 = tpu.memref_slice %arg6[%dma_start3A_20, %dma_start3A_21] : memref<128x512xi32, #tpu.memory_space<vmem>> -> memref<64x512xi32, #tpu.memory_space<vmem>>
    %dma_start3A_23 = arith.constant 0 : i32
    %dma_start3A_24 = tpu.memref_slice %arg3[%add3A_19, %dma_start3A_23] : memref<2048x512xi32, #tpu.memory_space<hbm>> -> memref<64x512xi32, #tpu.memory_space<hbm>>
    %dma_start3A_25 = arith.constant 64 : i32
    %dma_start3A_26 = arith.constant 0 : i32
    %dma_start3A_27 = tpu.memref_slice %arg6[%dma_start3A_25, %dma_start3A_26] : memref<128x512xi32, #tpu.memory_space<vmem>> -> memref<64x512xi32, #tpu.memory_space<vmem>>
    %dma_start3A_28 = arith.constant 0 : i32
    %dma_start3A_29 = tpu.memref_slice %arg3[%add3A_19, %dma_start3A_28] : memref<2048x512xi32, #tpu.memory_space<hbm>> -> memref<64x512xi32, #tpu.memory_space<hbm>>
    tpu.enqueue_dma source(%dma_start3A_29 : memref<64x512xi32, #tpu.memory_space<hbm>>) target(%dma_start3A_27 : memref<64x512xi32, #tpu.memory_space<vmem>>) target_semaphore(%arg7 : memref<!tpu.dma_semaphore, #tpu.memory_space<semaphore_mem>>)
    %dma_wait3A = arith.constant 0 : i32
    %dma_wait3A_30 = arith.constant 0 : i32
    %dma_wait3A_31 = tpu.memref_slice %arg6[%dma_wait3A, %dma_wait3A_30] : memref<128x512xi32, #tpu.memory_space<vmem>> -> memref<64x512xi32, #tpu.memory_space<vmem>>
    %dma_wait3A_32 = arith.constant 0 : i32
    %dma_wait3A_33 = tpu.memref_slice %arg3[%add3A_8, %dma_wait3A_32] : memref<2048x512xi32, #tpu.memory_space<hbm>> -> memref<64x512xi32, #tpu.memory_space<hbm>>
    %dma_wait3A_34 = arith.constant 0 : i32
    %dma_wait3A_35 = arith.constant 0 : i32
    %dma_wait3A_36 = tpu.memref_slice %arg6[%dma_wait3A_34, %dma_wait3A_35] : memref<128x512xi32, #tpu.memory_space<vmem>> -> memref<64x512xi32, #tpu.memory_space<vmem>>
    %dma_wait3A_37 = arith.constant 0 : i32
    %dma_wait3A_38 = tpu.memref_slice %arg3[%add3A_8, %dma_wait3A_37] : memref<2048x512xi32, #tpu.memory_space<hbm>> -> memref<64x512xi32, #tpu.memory_space<hbm>>
    tpu.wait_dma2 semaphore(%arg7 : memref<!tpu.dma_semaphore, #tpu.memory_space<semaphore_mem>>) src(%dma_wait3A_38 : memref<64x512xi32, #tpu.memory_space<hbm>>) dst(%dma_wait3A_36 : memref<64x512xi32, #tpu.memory_space<vmem>>)
    %dma_start3A_39 = arith.constant 0 : i32
    %dma_start3A_40 = arith.constant 0 : i32
    %dma_start3A_41 = arith.constant 0 : i32
    %dma_start3A_42 = tpu.memref_slice %arg6[%dma_start3A_40, %dma_start3A_41] : memref<128x512xi32, #tpu.memory_space<vmem>> -> memref<64x512xi32, #tpu.memory_space<vmem>>
    %dma_start3A_43 = arith.constant 0 : i32
    %dma_start3A_44 = tpu.memref_slice %arg5[%dma_start3A_39, %dma_start3A_43] : memref<2x64xi32, #tpu.memory_space<vmem>> -> memref<1x64xi32, #tpu.memory_space<vmem>>
    %dma_start3A_45 = tpu.memref_squeeze %dma_start3A_44 : memref<1x64xi32, #tpu.memory_space<vmem>> -> memref<64xi32, #tpu.memory_space<vmem>>
    %dma_start3A_46 = arith.constant 0 : i32
    %dma_start3A_47 = arith.constant 0 : i32
    %dma_start3A_48 = tpu.memref_slice %arg4[%dma_start3A_46, %dma_start3A_47] : memref<8192x512xi32, #tpu.memory_space<hbm>> -> memref<8192x512xi32, #tpu.memory_space<hbm>>
    tpu.enqueue_indirect_dma source(%dma_start3A_42 : memref<64x512xi32, #tpu.memory_space<vmem>>) target(%dma_start3A_48 : memref<8192x512xi32, #tpu.memory_space<hbm>>) offsets(%dma_start3A_45 : memref<64xi32, #tpu.memory_space<vmem>>) semaphore(%arg8 : memref<!tpu.dma_semaphore, #tpu.memory_space<semaphore_mem>>)
    %dma_wait3A_49 = arith.constant 64 : i32
    %dma_wait3A_50 = arith.constant 0 : i32
    %dma_wait3A_51 = tpu.memref_slice %arg6[%dma_wait3A_49, %dma_wait3A_50] : memref<128x512xi32, #tpu.memory_space<vmem>> -> memref<64x512xi32, #tpu.memory_space<vmem>>
    %dma_wait3A_52 = arith.constant 0 : i32
    %dma_wait3A_53 = tpu.memref_slice %arg3[%add3A_19, %dma_wait3A_52] : memref<2048x512xi32, #tpu.memory_space<hbm>> -> memref<64x512xi32, #tpu.memory_space<hbm>>
    %dma_wait3A_54 = arith.constant 64 : i32
    %dma_wait3A_55 = arith.constant 0 : i32
    %dma_wait3A_56 = tpu.memref_slice %arg6[%dma_wait3A_54, %dma_wait3A_55] : memref<128x512xi32, #tpu.memory_space<vmem>> -> memref<64x512xi32, #tpu.memory_space<vmem>>
    %dma_wait3A_57 = arith.constant 0 : i32
    %dma_wait3A_58 = tpu.memref_slice %arg3[%add3A_19, %dma_wait3A_57] : memref<2048x512xi32, #tpu.memory_space<hbm>> -> memref<64x512xi32, #tpu.memory_space<hbm>>
    tpu.wait_dma2 semaphore(%arg7 : memref<!tpu.dma_semaphore, #tpu.memory_space<semaphore_mem>>) src(%dma_wait3A_58 : memref<64x512xi32, #tpu.memory_space<hbm>>) dst(%dma_wait3A_56 : memref<64x512xi32, #tpu.memory_space<vmem>>)
    %dma_start3A_59 = arith.constant 1 : i32
    %dma_start3A_60 = arith.constant 64 : i32
    %dma_start3A_61 = arith.constant 0 : i32
    %dma_start3A_62 = tpu.memref_slice %arg6[%dma_start3A_60, %dma_start3A_61] : memref<128x512xi32, #tpu.memory_space<vmem>> -> memref<64x512xi32, #tpu.memory_space<vmem>>
    %dma_start3A_63 = arith.constant 0 : i32
    %dma_start3A_64 = tpu.memref_slice %arg5[%dma_start3A_59, %dma_start3A_63] : memref<2x64xi32, #tpu.memory_space<vmem>> -> memref<1x64xi32, #tpu.memory_space<vmem>>
    %dma_start3A_65 = tpu.memref_squeeze %dma_start3A_64 : memref<1x64xi32, #tpu.memory_space<vmem>> -> memref<64xi32, #tpu.memory_space<vmem>>
    %dma_start3A_66 = arith.constant 0 : i32
    %dma_start3A_67 = arith.constant 0 : i32
    %dma_start3A_68 = tpu.memref_slice %arg4[%dma_start3A_66, %dma_start3A_67] : memref<8192x512xi32, #tpu.memory_space<hbm>> -> memref<8192x512xi32, #tpu.memory_space<hbm>>
    tpu.enqueue_indirect_dma source(%dma_start3A_62 : memref<64x512xi32, #tpu.memory_space<vmem>>) target(%dma_start3A_68 : memref<8192x512xi32, #tpu.memory_space<hbm>>) offsets(%dma_start3A_65 : memref<64xi32, #tpu.memory_space<vmem>>) semaphore(%arg8 : memref<!tpu.dma_semaphore, #tpu.memory_space<semaphore_mem>>)
    %dma_wait3A_69 = arith.constant 0 : i32
    %dma_wait3A_70 = arith.constant 0 : i32
    %dma_wait3A_71 = arith.constant 0 : i32
    %dma_wait3A_72 = tpu.memref_slice %arg6[%dma_wait3A_70, %dma_wait3A_71] : memref<128x512xi32, #tpu.memory_space<vmem>> -> memref<64x512xi32, #tpu.memory_space<vmem>>
    %dma_wait3A_73 = arith.constant 0 : i32
    %dma_wait3A_74 = tpu.memref_slice %arg5[%dma_wait3A_69, %dma_wait3A_73] : memref<2x64xi32, #tpu.memory_space<vmem>> -> memref<1x64xi32, #tpu.memory_space<vmem>>
    %dma_wait3A_75 = tpu.memref_squeeze %dma_wait3A_74 : memref<1x64xi32, #tpu.memory_space<vmem>> -> memref<64xi32, #tpu.memory_space<vmem>>
    %dma_wait3A_76 = arith.constant 0 : i32
    %dma_wait3A_77 = arith.constant 0 : i32
    %dma_wait3A_78 = tpu.memref_slice %arg4[%dma_wait3A_76, %dma_wait3A_77] : memref<8192x512xi32, #tpu.memory_space<hbm>> -> memref<8192x512xi32, #tpu.memory_space<hbm>>
    tpu.wait_indirect_dma semaphore(%arg8 : memref<!tpu.dma_semaphore, #tpu.memory_space<semaphore_mem>>) src(%dma_wait3A_72 : memref<64x512xi32, #tpu.memory_space<vmem>>) dst(%dma_wait3A_78 : memref<8192x512xi32, #tpu.memory_space<hbm>>)
    %dma_wait3A_79 = arith.constant 1 : i32
    %dma_wait3A_80 = arith.constant 64 : i32
    %dma_wait3A_81 = arith.constant 0 : i32
    %dma_wait3A_82 = tpu.memref_slice %arg6[%dma_wait3A_80, %dma_wait3A_81] : memref<128x512xi32, #tpu.memory_space<vmem>> -> memref<64x512xi32, #tpu.memory_space<vmem>>
    %dma_wait3A_83 = arith.constant 0 : i32
    %dma_wait3A_84 = tpu.memref_slice %arg5[%dma_wait3A_79, %dma_wait3A_83] : memref<2x64xi32, #tpu.memory_space<vmem>> -> memref<1x64xi32, #tpu.memory_space<vmem>>
    %dma_wait3A_85 = tpu.memref_squeeze %dma_wait3A_84 : memref<1x64xi32, #tpu.memory_space<vmem>> -> memref<64xi32, #tpu.memory_space<vmem>>
    %dma_wait3A_86 = arith.constant 0 : i32
    %dma_wait3A_87 = arith.constant 0 : i32
    %dma_wait3A_88 = tpu.memref_slice %arg4[%dma_wait3A_86, %dma_wait3A_87] : memref<8192x512xi32, #tpu.memory_space<hbm>> -> memref<8192x512xi32, #tpu.memory_space<hbm>>
    tpu.wait_indirect_dma semaphore(%arg8 : memref<!tpu.dma_semaphore, #tpu.memory_space<semaphore_mem>>) src(%dma_wait3A_82 : memref<64x512xi32, #tpu.memory_space<vmem>>) dst(%dma_wait3A_88 : memref<8192x512xi32, #tpu.memory_space<hbm>>)
    return
  }
}

#map = affine_map<(d0, d1) -> (0, 0)>
module attributes {stable_mosaic.version = 14 : i64} {
  func.func @_gather(%arg0: i32, %arg1: i32, %arg2: memref<64x64xi32, #tpu.memory_space<hbm>>, %arg3: memref<8192x512xi32, #tpu.memory_space<hbm>>, %arg4: memref<4096x512xi32, #tpu.memory_space<hbm>>, %arg5: memref<2x64xi32, #tpu.memory_space<vmem>>, %arg6: memref<128x512xi32, #tpu.memory_space<vmem>>, %arg7: memref<!tpu.dma_semaphore, #tpu.memory_space<semaphore_mem>>, %arg8: memref<!tpu.dma_semaphore, #tpu.memory_space<semaphore_mem>>) attributes {dimension_semantics = [#tpu.dimension_semantics<core_parallel>, #tpu.dimension_semantics<subcore_parallel>], iteration_bounds = array<i64: 2, 16>, scalar_prefetch = 0 : i64, scratch_operands = 4 : i64, tpu.core_type = #tpu.core_type<sc_vector_subcore>, window_params = [{transform_indices = #map}, {transform_indices = #map}, {transform_indices = #map}]} {
    %mul3A = arith.constant 2 : i32
    %mul3A_0 = arith.muli %arg1, %mul3A : i32
    %add3A = arith.addi %mul3A_0, %arg0 : i32
    %mul3A_1 = arith.constant 128 : i32
    %mul3A_2 = arith.muli %add3A, %mul3A_1 : i32
    %multiple_of3A = tpu.assume_multiple %mul3A_2, 128 : i32
    %mul3A_3 = arith.constant 2 : i32
    %mul3A_4 = arith.muli %add3A, %mul3A_3 : i32
    "tpu.region"() ({
      %run_scoped3A = tpu.sem_alloc : memref<!tpu.dma_semaphore, #tpu.memory_space<semaphore_mem>>
      %dma_start3A_87 = arith.constant 0 : i32
      %dma_start3A_88 = tpu.memref_slice %arg2[%mul3A_4, %dma_start3A_87] : memref<64x64xi32, #tpu.memory_space<hbm>> -> memref<2x64xi32, #tpu.memory_space<hbm>>
      %dma_start3A_89 = arith.constant 0 : i32
      %dma_start3A_90 = tpu.memref_slice %arg2[%mul3A_4, %dma_start3A_89] : memref<64x64xi32, #tpu.memory_space<hbm>> -> memref<2x64xi32, #tpu.memory_space<hbm>>
      tpu.enqueue_dma source(%dma_start3A_90 : memref<2x64xi32, #tpu.memory_space<hbm>>) target(%arg5 : memref<2x64xi32, #tpu.memory_space<vmem>>) target_semaphore(%run_scoped3A : memref<!tpu.dma_semaphore, #tpu.memory_space<semaphore_mem>>)
      %dma_wait3A_91 = arith.constant 0 : i32
      %dma_wait3A_92 = tpu.memref_slice %arg2[%mul3A_4, %dma_wait3A_91] : memref<64x64xi32, #tpu.memory_space<hbm>> -> memref<2x64xi32, #tpu.memory_space<hbm>>
      %dma_wait3A_93 = arith.constant 0 : i32
      %dma_wait3A_94 = tpu.memref_slice %arg2[%mul3A_4, %dma_wait3A_93] : memref<64x64xi32, #tpu.memory_space<hbm>> -> memref<2x64xi32, #tpu.memory_space<hbm>>
      tpu.wait_dma2 semaphore(%run_scoped3A : memref<!tpu.dma_semaphore, #tpu.memory_space<semaphore_mem>>) src(%dma_wait3A_94 : memref<2x64xi32, #tpu.memory_space<hbm>>) dst(%arg5 : memref<2x64xi32, #tpu.memory_space<vmem>>)
      tpu.yield
    }) : () -> ()
    %dma_start3A = arith.constant 0 : i32
    %dma_start3A_5 = arith.constant 0 : i32
    %dma_start3A_6 = arith.constant 0 : i32
    %dma_start3A_7 = tpu.memref_slice %arg6[%dma_start3A_5, %dma_start3A_6] : memref<128x512xi32, #tpu.memory_space<vmem>> -> memref<64x512xi32, #tpu.memory_space<vmem>>
    %dma_start3A_8 = arith.constant 0 : i32
    %dma_start3A_9 = tpu.memref_slice %arg5[%dma_start3A, %dma_start3A_8] : memref<2x64xi32, #tpu.memory_space<vmem>> -> memref<1x64xi32, #tpu.memory_space<vmem>>
    %dma_start3A_10 = tpu.memref_squeeze %dma_start3A_9 : memref<1x64xi32, #tpu.memory_space<vmem>> -> memref<64xi32, #tpu.memory_space<vmem>>
    %dma_start3A_11 = arith.constant 0 : i32
    %dma_start3A_12 = arith.constant 0 : i32
    %dma_start3A_13 = tpu.memref_slice %arg3[%dma_start3A_11, %dma_start3A_12] : memref<8192x512xi32, #tpu.memory_space<hbm>> -> memref<8192x512xi32, #tpu.memory_space<hbm>>
    tpu.enqueue_indirect_dma source(%dma_start3A_13 : memref<8192x512xi32, #tpu.memory_space<hbm>>) target(%dma_start3A_7 : memref<64x512xi32, #tpu.memory_space<vmem>>) offsets(%dma_start3A_10 : memref<64xi32, #tpu.memory_space<vmem>>) semaphore(%arg7 : memref<!tpu.dma_semaphore, #tpu.memory_space<semaphore_mem>>)
    %dma_start3A_14 = arith.constant 1 : i32
    %dma_start3A_15 = arith.constant 64 : i32
    %dma_start3A_16 = arith.constant 0 : i32
    %dma_start3A_17 = tpu.memref_slice %arg6[%dma_start3A_15, %dma_start3A_16] : memref<128x512xi32, #tpu.memory_space<vmem>> -> memref<64x512xi32, #tpu.memory_space<vmem>>
    %dma_start3A_18 = arith.constant 0 : i32
    %dma_start3A_19 = tpu.memref_slice %arg5[%dma_start3A_14, %dma_start3A_18] : memref<2x64xi32, #tpu.memory_space<vmem>> -> memref<1x64xi32, #tpu.memory_space<vmem>>
    %dma_start3A_20 = tpu.memref_squeeze %dma_start3A_19 : memref<1x64xi32, #tpu.memory_space<vmem>> -> memref<64xi32, #tpu.memory_space<vmem>>
    %dma_start3A_21 = arith.constant 0 : i32
    %dma_start3A_22 = arith.constant 0 : i32
    %dma_start3A_23 = tpu.memref_slice %arg3[%dma_start3A_21, %dma_start3A_22] : memref<8192x512xi32, #tpu.memory_space<hbm>> -> memref<8192x512xi32, #tpu.memory_space<hbm>>
    tpu.enqueue_indirect_dma source(%dma_start3A_23 : memref<8192x512xi32, #tpu.memory_space<hbm>>) target(%dma_start3A_17 : memref<64x512xi32, #tpu.memory_space<vmem>>) offsets(%dma_start3A_20 : memref<64xi32, #tpu.memory_space<vmem>>) semaphore(%arg7 : memref<!tpu.dma_semaphore, #tpu.memory_space<semaphore_mem>>)
    %dma_wait3A = arith.constant 0 : i32
    %dma_wait3A_24 = arith.constant 0 : i32
    %dma_wait3A_25 = arith.constant 0 : i32
    %dma_wait3A_26 = tpu.memref_slice %arg6[%dma_wait3A_24, %dma_wait3A_25] : memref<128x512xi32, #tpu.memory_space<vmem>> -> memref<64x512xi32, #tpu.memory_space<vmem>>
    %dma_wait3A_27 = arith.constant 0 : i32
    %dma_wait3A_28 = tpu.memref_slice %arg5[%dma_wait3A, %dma_wait3A_27] : memref<2x64xi32, #tpu.memory_space<vmem>> -> memref<1x64xi32, #tpu.memory_space<vmem>>
    %dma_wait3A_29 = tpu.memref_squeeze %dma_wait3A_28 : memref<1x64xi32, #tpu.memory_space<vmem>> -> memref<64xi32, #tpu.memory_space<vmem>>
    %dma_wait3A_30 = arith.constant 0 : i32
    %dma_wait3A_31 = arith.constant 0 : i32
    %dma_wait3A_32 = tpu.memref_slice %arg3[%dma_wait3A_30, %dma_wait3A_31] : memref<8192x512xi32, #tpu.memory_space<hbm>> -> memref<8192x512xi32, #tpu.memory_space<hbm>>
    tpu.wait_indirect_dma semaphore(%arg7 : memref<!tpu.dma_semaphore, #tpu.memory_space<semaphore_mem>>) src(%dma_wait3A_32 : memref<8192x512xi32, #tpu.memory_space<hbm>>) dst(%dma_wait3A_26 : memref<64x512xi32, #tpu.memory_space<vmem>>)
    %add3A_33 = arith.constant 0 : i32
    %add3A_34 = arith.addi %multiple_of3A, %add3A_33 : i32
    %dma_start3A_35 = arith.constant 0 : i32
    %dma_start3A_36 = arith.constant 0 : i32
    %dma_start3A_37 = tpu.memref_slice %arg6[%dma_start3A_35, %dma_start3A_36] : memref<128x512xi32, #tpu.memory_space<vmem>> -> memref<64x512xi32, #tpu.memory_space<vmem>>
    %dma_start3A_38 = arith.constant 0 : i32
    %dma_start3A_39 = tpu.memref_slice %arg4[%add3A_34, %dma_start3A_38] : memref<4096x512xi32, #tpu.memory_space<hbm>> -> memref<64x512xi32, #tpu.memory_space<hbm>>
    %dma_start3A_40 = arith.constant 0 : i32
    %dma_start3A_41 = tpu.memref_slice %arg4[%add3A_34, %dma_start3A_40] : memref<4096x512xi32, #tpu.memory_space<hbm>> -> memref<64x512xi32, #tpu.memory_space<hbm>>
    %dma_start3A_42 = arith.constant 0 : i32
    %dma_start3A_43 = arith.constant 0 : i32
    %dma_start3A_44 = tpu.memref_slice %arg6[%dma_start3A_42, %dma_start3A_43] : memref<128x512xi32, #tpu.memory_space<vmem>> -> memref<64x512xi32, #tpu.memory_space<vmem>>
    tpu.enqueue_dma source(%dma_start3A_44 : memref<64x512xi32, #tpu.memory_space<vmem>>) target(%dma_start3A_41 : memref<64x512xi32, #tpu.memory_space<hbm>>) target_semaphore(%arg8 : memref<!tpu.dma_semaphore, #tpu.memory_space<semaphore_mem>>)
    %dma_wait3A_45 = arith.constant 1 : i32
    %dma_wait3A_46 = arith.constant 64 : i32
    %dma_wait3A_47 = arith.constant 0 : i32
    %dma_wait3A_48 = tpu.memref_slice %arg6[%dma_wait3A_46, %dma_wait3A_47] : memref<128x512xi32, #tpu.memory_space<vmem>> -> memref<64x512xi32, #tpu.memory_space<vmem>>
    %dma_wait3A_49 = arith.constant 0 : i32
    %dma_wait3A_50 = tpu.memref_slice %arg5[%dma_wait3A_45, %dma_wait3A_49] : memref<2x64xi32, #tpu.memory_space<vmem>> -> memref<1x64xi32, #tpu.memory_space<vmem>>
    %dma_wait3A_51 = tpu.memref_squeeze %dma_wait3A_50 : memref<1x64xi32, #tpu.memory_space<vmem>> -> memref<64xi32, #tpu.memory_space<vmem>>
    %dma_wait3A_52 = arith.constant 0 : i32
    %dma_wait3A_53 = arith.constant 0 : i32
    %dma_wait3A_54 = tpu.memref_slice %arg3[%dma_wait3A_52, %dma_wait3A_53] : memref<8192x512xi32, #tpu.memory_space<hbm>> -> memref<8192x512xi32, #tpu.memory_space<hbm>>
    tpu.wait_indirect_dma semaphore(%arg7 : memref<!tpu.dma_semaphore, #tpu.memory_space<semaphore_mem>>) src(%dma_wait3A_54 : memref<8192x512xi32, #tpu.memory_space<hbm>>) dst(%dma_wait3A_48 : memref<64x512xi32, #tpu.memory_space<vmem>>)
    %add3A_55 = arith.constant 64 : i32
    %add3A_56 = arith.addi %multiple_of3A, %add3A_55 : i32
    %dma_start3A_57 = arith.constant 64 : i32
    %dma_start3A_58 = arith.constant 0 : i32
    %dma_start3A_59 = tpu.memref_slice %arg6[%dma_start3A_57, %dma_start3A_58] : memref<128x512xi32, #tpu.memory_space<vmem>> -> memref<64x512xi32, #tpu.memory_space<vmem>>
    %dma_start3A_60 = arith.constant 0 : i32
    %dma_start3A_61 = tpu.memref_slice %arg4[%add3A_56, %dma_start3A_60] : memref<4096x512xi32, #tpu.memory_space<hbm>> -> memref<64x512xi32, #tpu.memory_space<hbm>>
    %dma_start3A_62 = arith.constant 0 : i32
    %dma_start3A_63 = tpu.memref_slice %arg4[%add3A_56, %dma_start3A_62] : memref<4096x512xi32, #tpu.memory_space<hbm>> -> memref<64x512xi32, #tpu.memory_space<hbm>>
    %dma_start3A_64 = arith.constant 64 : i32
    %dma_start3A_65 = arith.constant 0 : i32
    %dma_start3A_66 = tpu.memref_slice %arg6[%dma_start3A_64, %dma_start3A_65] : memref<128x512xi32, #tpu.memory_space<vmem>> -> memref<64x512xi32, #tpu.memory_space<vmem>>
    tpu.enqueue_dma source(%dma_start3A_66 : memref<64x512xi32, #tpu.memory_space<vmem>>) target(%dma_start3A_63 : memref<64x512xi32, #tpu.memory_space<hbm>>) target_semaphore(%arg8 : memref<!tpu.dma_semaphore, #tpu.memory_space<semaphore_mem>>)
    %dma_wait3A_67 = arith.constant 0 : i32
    %dma_wait3A_68 = arith.constant 0 : i32
    %dma_wait3A_69 = tpu.memref_slice %arg6[%dma_wait3A_67, %dma_wait3A_68] : memref<128x512xi32, #tpu.memory_space<vmem>> -> memref<64x512xi32, #tpu.memory_space<vmem>>
    %dma_wait3A_70 = arith.constant 0 : i32
    %dma_wait3A_71 = tpu.memref_slice %arg4[%add3A_34, %dma_wait3A_70] : memref<4096x512xi32, #tpu.memory_space<hbm>> -> memref<64x512xi32, #tpu.memory_space<hbm>>
    %dma_wait3A_72 = arith.constant 0 : i32
    %dma_wait3A_73 = tpu.memref_slice %arg4[%add3A_34, %dma_wait3A_72] : memref<4096x512xi32, #tpu.memory_space<hbm>> -> memref<64x512xi32, #tpu.memory_space<hbm>>
    %dma_wait3A_74 = arith.constant 0 : i32
    %dma_wait3A_75 = arith.constant 0 : i32
    %dma_wait3A_76 = tpu.memref_slice %arg6[%dma_wait3A_74, %dma_wait3A_75] : memref<128x512xi32, #tpu.memory_space<vmem>> -> memref<64x512xi32, #tpu.memory_space<vmem>>
    tpu.wait_dma2 semaphore(%arg8 : memref<!tpu.dma_semaphore, #tpu.memory_space<semaphore_mem>>) src(%dma_wait3A_76 : memref<64x512xi32, #tpu.memory_space<vmem>>) dst(%dma_wait3A_73 : memref<64x512xi32, #tpu.memory_space<hbm>>)
    %dma_wait3A_77 = arith.constant 64 : i32
    %dma_wait3A_78 = arith.constant 0 : i32
    %dma_wait3A_79 = tpu.memref_slice %arg6[%dma_wait3A_77, %dma_wait3A_78] : memref<128x512xi32, #tpu.memory_space<vmem>> -> memref<64x512xi32, #tpu.memory_space<vmem>>
    %dma_wait3A_80 = arith.constant 0 : i32
    %dma_wait3A_81 = tpu.memref_slice %arg4[%add3A_56, %dma_wait3A_80] : memref<4096x512xi32, #tpu.memory_space<hbm>> -> memref<64x512xi32, #tpu.memory_space<hbm>>
    %dma_wait3A_82 = arith.constant 0 : i32
    %dma_wait3A_83 = tpu.memref_slice %arg4[%add3A_56, %dma_wait3A_82] : memref<4096x512xi32, #tpu.memory_space<hbm>> -> memref<64x512xi32, #tpu.memory_space<hbm>>
    %dma_wait3A_84 = arith.constant 64 : i32
    %dma_wait3A_85 = arith.constant 0 : i32
    %dma_wait3A_86 = tpu.memref_slice %arg6[%dma_wait3A_84, %dma_wait3A_85] : memref<128x512xi32, #tpu.memory_space<vmem>> -> memref<64x512xi32, #tpu.memory_space<vmem>>
    tpu.wait_dma2 semaphore(%arg8 : memref<!tpu.dma_semaphore, #tpu.memory_space<semaphore_mem>>) src(%dma_wait3A_86 : memref<64x512xi32, #tpu.memory_space<vmem>>) dst(%dma_wait3A_83 : memref<64x512xi32, #tpu.memory_space<hbm>>)
    return
  }
}

module attributes {stable_mosaic.version = 14 : i64} {
  func.func @_ffn_sparse_kernel(%arg0: i32, %arg1: memref<64xi32, #tpu.memory_space<smem>>, %arg2: memref<512x512xi32, #tpu.memory_space<vmem>>, %arg3: memref<1x512x1024xf32, #tpu.memory_space<vmem>>, %arg4: memref<1x512x1024xf32, #tpu.memory_space<vmem>>, %arg5: memref<1x1024x512xf32, #tpu.memory_space<vmem>>, %arg6: memref<512x512xi32, #tpu.memory_space<vmem>>) attributes {dimension_semantics = [#tpu.dimension_semantics<arbitrary>], iteration_bounds = array<i64: 16>, scalar_prefetch = 1 : i64, scratch_operands = 0 : i64, tpu.core_type = #tpu.core_type<tc>, window_params = [{transform_indices = @transform_0, window_bounds = array<i64: 512, 512>}, {transform_indices = @transform_1, window_bounds = array<i64: 1, 512, 1024>}, {transform_indices = @transform_2, window_bounds = array<i64: 1, 512, 1024>}, {transform_indices = @transform_3, window_bounds = array<i64: 1, 1024, 512>}, {transform_indices = @transform_4, window_bounds = array<i64: 512, 512>}]} {
    %get3A = arith.constant 63 : index
    %get3A_0 = memref.load %arg1[%get3A] : memref<64xi32, #tpu.memory_space<smem>>
    %lt3A = arith.cmpi slt, %arg0, %get3A_0 : i32
    %convert_element_type3A = arith.extui %lt3A : i1 to i32
    %cond3A = arith.constant 0 : i32
    %cond3A_1 = arith.cmpi ne, %convert_element_type3A, %cond3A : i32
    scf.if %cond3A_1 {
      %get3A_2 = arith.constant 0 : index
      %get3A_3 = arith.constant 0 : index
      %get3A_4 = vector.load %arg2[%get3A_2, %get3A_3] : memref<512x512xi32, #tpu.memory_space<vmem>>, vector<512x512xi32>
      %shift_left3A = arith.constant 16 : i32
      %shift_left3A_5 = vector.broadcast %shift_left3A : i32 to vector<512x512xi32>
      %shift_left3A_6 = arith.shli %get3A_4, %shift_left3A_5 : vector<512x512xi32>
      %bitcast_convert_type3A = tpu.bitcast %shift_left3A_6 : vector<512x512xi32> -> vector<512x512xf32>
      %and3A = arith.constant -65536 : i32
      %and3A_7 = vector.broadcast %and3A : i32 to vector<512x512xi32>
      %and3A_8 = arith.andi %get3A_4, %and3A_7 : vector<512x512xi32>
      %bitcast_convert_type3A_9 = tpu.bitcast %and3A_8 : vector<512x512xi32> -> vector<512x512xf32>
      %convert_element_type3A_10 = arith.truncf %bitcast_convert_type3A : vector<512x512xf32> to vector<512x512xbf16>
      %convert_element_type3A_11 = arith.truncf %bitcast_convert_type3A_9 : vector<512x512xf32> to vector<512x512xbf16>
      %get3A_12 = arith.constant 0 : index
      %get3A_13 = arith.constant 0 : index
      %get3A_14 = arith.constant 0 : index
      %get3A_15 = vector.load %arg3[%get3A_12, %get3A_13, %get3A_14] : memref<1x512x1024xf32, #tpu.memory_space<vmem>>, vector<1x512x1024xf32>
      %get3A_16 = vector.shape_cast %get3A_15 : vector<1x512x1024xf32> to vector<512x1024xf32>
      %get3A_17 = arith.constant 0 : index
      %get3A_18 = arith.constant 0 : index
      %get3A_19 = arith.constant 0 : index
      %get3A_20 = vector.load %arg4[%get3A_17, %get3A_18, %get3A_19] : memref<1x512x1024xf32, #tpu.memory_space<vmem>>, vector<1x512x1024xf32>
      %get3A_21 = vector.shape_cast %get3A_20 : vector<1x512x1024xf32> to vector<512x1024xf32>
      %slice3A = vector.extract_strided_slice %get3A_16 {offsets = [0, 0], sizes = [512, 512], strides = [1, 1]} : vector<512x1024xf32> to vector<512x512xf32>
      %convert_element_type3A_22 = arith.truncf %slice3A : vector<512x512xf32> to vector<512x512xbf16>
      %dot_general3A = arith.constant dense<0.000000e+00> : vector<512x512xf32>
      %dot_general3A_23 = tpu.matmul %convert_element_type3A_10, %convert_element_type3A_22, %dot_general3A {dimension_numbers = #tpu.dot_dimension_numbers<[1], [1], [0], [0], [0, 0, 1, 0], [], []>, transpose_lhs_hint = false} : vector<512x512xbf16>, vector<512x512xbf16>, vector<512x512xf32> -> vector<512x512xf32>
      %slice3A_24 = vector.extract_strided_slice %get3A_16 {offsets = [0, 512], sizes = [512, 512], strides = [1, 1]} : vector<512x1024xf32> to vector<512x512xf32>
      %convert_element_type3A_25 = arith.truncf %slice3A_24 : vector<512x512xf32> to vector<512x512xbf16>
      %dot_general3A_26 = arith.constant dense<0.000000e+00> : vector<512x512xf32>
      %dot_general3A_27 = tpu.matmul %convert_element_type3A_11, %convert_element_type3A_25, %dot_general3A_26 {dimension_numbers = #tpu.dot_dimension_numbers<[1], [1], [0], [0], [0, 0, 1, 0], [], []>, transpose_lhs_hint = false} : vector<512x512xbf16>, vector<512x512xbf16>, vector<512x512xf32> -> vector<512x512xf32>
      %add3A = arith.addf %dot_general3A_23, %dot_general3A_27 : vector<512x512xf32>
      %slice3A_28 = vector.extract_strided_slice %get3A_21 {offsets = [0, 0], sizes = [512, 512], strides = [1, 1]} : vector<512x1024xf32> to vector<512x512xf32>
      %convert_element_type3A_29 = arith.truncf %slice3A_28 : vector<512x512xf32> to vector<512x512xbf16>
      %dot_general3A_30 = arith.constant dense<0.000000e+00> : vector<512x512xf32>
      %dot_general3A_31 = tpu.matmul %convert_element_type3A_10, %convert_element_type3A_29, %dot_general3A_30 {dimension_numbers = #tpu.dot_dimension_numbers<[1], [1], [0], [0], [0, 0, 1, 0], [], []>, transpose_lhs_hint = false} : vector<512x512xbf16>, vector<512x512xbf16>, vector<512x512xf32> -> vector<512x512xf32>
      %slice3A_32 = vector.extract_strided_slice %get3A_21 {offsets = [0, 512], sizes = [512, 512], strides = [1, 1]} : vector<512x1024xf32> to vector<512x512xf32>
      %convert_element_type3A_33 = arith.truncf %slice3A_32 : vector<512x512xf32> to vector<512x512xbf16>
      %dot_general3A_34 = arith.constant dense<0.000000e+00> : vector<512x512xf32>
      %dot_general3A_35 = tpu.matmul %convert_element_type3A_11, %convert_element_type3A_33, %dot_general3A_34 {dimension_numbers = #tpu.dot_dimension_numbers<[1], [1], [0], [0], [0, 0, 1, 0], [], []>, transpose_lhs_hint = false} : vector<512x512xbf16>, vector<512x512xbf16>, vector<512x512xf32> -> vector<512x512xf32>
      %add3A_36 = arith.addf %dot_general3A_31, %dot_general3A_35 : vector<512x512xf32>
      %logistic3A = arith.negf %add3A : vector<512x512xf32>
      %logistic3A_37 = math.exp %logistic3A : vector<512x512xf32>
      %logistic3A_38 = arith.constant 1.000000e+00 : f32
      %logistic3A_39 = vector.broadcast %logistic3A_38 : f32 to vector<512x512xf32>
      %logistic3A_40 = arith.addf %logistic3A_39, %logistic3A_37 : vector<512x512xf32>
      %logistic3A_41 = arith.divf %logistic3A_39, %logistic3A_40 : vector<512x512xf32>
      %mul3A = arith.mulf %add3A, %logistic3A_41 : vector<512x512xf32>
      %mul3A_42 = arith.mulf %mul3A, %add3A_36 : vector<512x512xf32>
      %convert_element_type3A_43 = arith.truncf %mul3A_42 : vector<512x512xf32> to vector<512x512xbf16>
      %get3A_44 = arith.constant 0 : index
      %get3A_45 = arith.constant 0 : index
      %get3A_46 = arith.constant 0 : index
      %get3A_47 = vector.load %arg5[%get3A_44, %get3A_45, %get3A_46] : memref<1x1024x512xf32, #tpu.memory_space<vmem>>, vector<1x1024x512xf32>
      %get3A_48 = vector.shape_cast %get3A_47 : vector<1x1024x512xf32> to vector<1024x512xf32>
      %convert_element_type3A_49 = arith.truncf %get3A_48 : vector<1024x512xf32> to vector<1024x512xbf16>
      %dot_general3A_50 = arith.constant dense<0.000000e+00> : vector<512x1024xf32>
      %dot_general3A_51 = tpu.matmul %convert_element_type3A_43, %convert_element_type3A_49, %dot_general3A_50 {dimension_numbers = #tpu.dot_dimension_numbers<[1], [1], [0], [0], [0, 0, 1, 0], [], []>, transpose_lhs_hint = false} : vector<512x512xbf16>, vector<1024x512xbf16>, vector<512x1024xf32> -> vector<512x1024xf32>
      %slice3A_52 = vector.extract_strided_slice %dot_general3A_51 {offsets = [0, 0], sizes = [512, 512], strides = [1, 1]} : vector<512x1024xf32> to vector<512x512xf32>
      %slice3A_53 = vector.extract_strided_slice %dot_general3A_51 {offsets = [0, 512], sizes = [512, 512], strides = [1, 1]} : vector<512x1024xf32> to vector<512x512xf32>
      %convert_element_type3A_54 = arith.truncf %slice3A_52 : vector<512x512xf32> to vector<512x512xbf16>
      %bitcast_convert_type3A_55 = tpu.bitcast %convert_element_type3A_54 : vector<512x512xbf16> -> vector<512x512xi16>
      %convert_element_type3A_56 = arith.extui %bitcast_convert_type3A_55 : vector<512x512xi16> to vector<512x512xi32>
      %convert_element_type3A_57 = arith.truncf %slice3A_53 : vector<512x512xf32> to vector<512x512xbf16>
      %bitcast_convert_type3A_58 = tpu.bitcast %convert_element_type3A_57 : vector<512x512xbf16> -> vector<512x512xi16>
      %convert_element_type3A_59 = arith.extui %bitcast_convert_type3A_58 : vector<512x512xi16> to vector<512x512xi32>
      %shift_left3A_60 = arith.constant 16 : i32
      %shift_left3A_61 = vector.broadcast %shift_left3A_60 : i32 to vector<512x512xi32>
      %shift_left3A_62 = arith.shli %convert_element_type3A_59, %shift_left3A_61 : vector<512x512xi32>
      %or3A = arith.ori %convert_element_type3A_56, %shift_left3A_62 : vector<512x512xi32>
      %bitcast_convert_type3A_63 = tpu.bitcast %or3A : vector<512x512xi32> -> vector<512x512xi32>
      %swap3A = arith.constant 0 : index
      %swap3A_64 = arith.constant 0 : index
      %swap3A_65 = vector.load %arg6[%swap3A, %swap3A_64] : memref<512x512xi32, #tpu.memory_space<vmem>>, vector<512x512xi32>
      tpu.vector_store %arg6[%swap3A, %swap3A_64], %bitcast_convert_type3A_63 {strides = array<i32>} : memref<512x512xi32, #tpu.memory_space<vmem>>, vector<512x512xi32>,
    } else {
    }
    return
  }
  func.func @transform_0(%arg0: i32, %arg1: memref<64xi32, #tpu.memory_space<smem>>) -> (i32, i32) {
    %c0_i32 = arith.constant 0 : i32
    %c0_i32_0 = arith.constant 0 : i32
    return %arg0, %c0_i32 : i32, i32
  }
  func.func @transform_1(%arg0: i32, %arg1: memref<64xi32, #tpu.memory_space<smem>>) -> (i32, i32, i32) {
    %get3A = arith.index_cast %arg0 : i32 to index
    %get3A_0 = memref.load %arg1[%get3A] : memref<64xi32, #tpu.memory_space<smem>>
    %c0_i32 = arith.constant 0 : i32
    %c0_i32_1 = arith.constant 0 : i32
    %c0_i32_2 = arith.constant 0 : i32
    return %get3A_0, %c0_i32, %c0_i32_1 : i32, i32, i32
  }
  func.func @transform_2(%arg0: i32, %arg1: memref<64xi32, #tpu.memory_space<smem>>) -> (i32, i32, i32) {
    %get3A = arith.index_cast %arg0 : i32 to index
    %get3A_0 = memref.load %arg1[%get3A] : memref<64xi32, #tpu.memory_space<smem>>
    %c0_i32 = arith.constant 0 : i32
    %c0_i32_1 = arith.constant 0 : i32
    %c0_i32_2 = arith.constant 0 : i32
    return %get3A_0, %c0_i32, %c0_i32_1 : i32, i32, i32
  }
  func.func @transform_3(%arg0: i32, %arg1: memref<64xi32, #tpu.memory_space<smem>>) -> (i32, i32, i32) {
    %get3A = arith.index_cast %arg0 : i32 to index
    %get3A_0 = memref.load %arg1[%get3A] : memref<64xi32, #tpu.memory_space<smem>>
    %c0_i32 = arith.constant 0 : i32
    %c0_i32_1 = arith.constant 0 : i32
    %c0_i32_2 = arith.constant 0 : i32
    return %get3A_0, %c0_i32, %c0_i32_1 : i32, i32, i32
  }
  func.func @transform_4(%arg0: i32, %arg1: memref<64xi32, #tpu.memory_space<smem>>) -> (i32, i32) {
    %c0_i32 = arith.constant 0 : i32
    %c0_i32_0 = arith.constant 0 : i32
    return %arg0, %c0_i32 : i32, i32
  }
}

module attributes {stable_mosaic.version = 14 : i64} {
  func.func @_routing_kernel(%arg0: memref<2048x1024xf32, #tpu.memory_space<vmem>>, %arg1: memref<2048x8xf32, #tpu.memory_space<vmem>>, %arg2: memref<8x1xf32, #tpu.memory_space<vmem>>, %arg3: memref<2048x8xf32, #tpu.memory_space<vmem>>, %arg4: memref<2x2048xi32, #tpu.memory_space<vmem>>, %arg5: memref<8x64xi32, #tpu.memory_space<vmem>>, %arg6: memref<2048x512xi32, #tpu.memory_space<vmem>>) attributes {dimension_semantics = [], scalar_prefetch = 0 : i64, scratch_operands = 0 : i64, tpu.core_type = #tpu.core_type<tc>} {
    %get3A = arith.constant 0 : index
    %get3A_0 = arith.constant 0 : index
    %get3A_1 = vector.load %arg0[%get3A, %get3A_0] : memref<2048x1024xf32, #tpu.memory_space<vmem>>, vector<2048x1024xf32>
    %get3A_2 = arith.constant 0 : index
    %get3A_3 = arith.constant 0 : index
    %get3A_4 = vector.load %arg1[%get3A_2, %get3A_3] : memref<2048x8xf32, #tpu.memory_space<vmem>>, vector<2048x8xf32>
    %transpose3A = tpu.transpose %get3A_4, [1, 0] : vector<2048x8xf32> -> vector<8x2048xf32>
    %get3A_5 = arith.constant 0 : index
    %get3A_6 = arith.constant 0 : index
    %get3A_7 = vector.load %arg2[%get3A_5, %get3A_6] : memref<8x1xf32, #tpu.memory_space<vmem>>, vector<8x1xf32>
    %add3A = vector.broadcast %get3A_7 : vector<8x1xf32> to vector<8x2048xf32>
    %add3A_8 = arith.addf %transpose3A, %add3A : vector<8x2048xf32>
    %slice3A = vector.extract_strided_slice %add3A_8 {offsets = [0, 0], sizes = [1, 2048], strides = [1, 1]} : vector<8x2048xf32> to vector<1x2048xf32>
    %slice3A_9 = vector.extract_strided_slice %add3A_8 {offsets = [1, 0], sizes = [1, 2048], strides = [1, 1]} : vector<8x2048xf32> to vector<1x2048xf32>
    %slice3A_10 = vector.extract_strided_slice %add3A_8 {offsets = [2, 0], sizes = [1, 2048], strides = [1, 1]} : vector<8x2048xf32> to vector<1x2048xf32>
    %slice3A_11 = vector.extract_strided_slice %add3A_8 {offsets = [3, 0], sizes = [1, 2048], strides = [1, 1]} : vector<8x2048xf32> to vector<1x2048xf32>
    %slice3A_12 = vector.extract_strided_slice %add3A_8 {offsets = [4, 0], sizes = [1, 2048], strides = [1, 1]} : vector<8x2048xf32> to vector<1x2048xf32>
    %slice3A_13 = vector.extract_strided_slice %add3A_8 {offsets = [5, 0], sizes = [1, 2048], strides = [1, 1]} : vector<8x2048xf32> to vector<1x2048xf32>
    %slice3A_14 = vector.extract_strided_slice %add3A_8 {offsets = [6, 0], sizes = [1, 2048], strides = [1, 1]} : vector<8x2048xf32> to vector<1x2048xf32>
    %slice3A_15 = vector.extract_strided_slice %add3A_8 {offsets = [7, 0], sizes = [1, 2048], strides = [1, 1]} : vector<8x2048xf32> to vector<1x2048xf32>
    %slice3A_16 = vector.extract_strided_slice %transpose3A {offsets = [0, 0], sizes = [1, 2048], strides = [1, 1]} : vector<8x2048xf32> to vector<1x2048xf32>
    %slice3A_17 = vector.extract_strided_slice %transpose3A {offsets = [1, 0], sizes = [1, 2048], strides = [1, 1]} : vector<8x2048xf32> to vector<1x2048xf32>
    %slice3A_18 = vector.extract_strided_slice %transpose3A {offsets = [2, 0], sizes = [1, 2048], strides = [1, 1]} : vector<8x2048xf32> to vector<1x2048xf32>
    %slice3A_19 = vector.extract_strided_slice %transpose3A {offsets = [3, 0], sizes = [1, 2048], strides = [1, 1]} : vector<8x2048xf32> to vector<1x2048xf32>
    %slice3A_20 = vector.extract_strided_slice %transpose3A {offsets = [4, 0], sizes = [1, 2048], strides = [1, 1]} : vector<8x2048xf32> to vector<1x2048xf32>
    %slice3A_21 = vector.extract_strided_slice %transpose3A {offsets = [5, 0], sizes = [1, 2048], strides = [1, 1]} : vector<8x2048xf32> to vector<1x2048xf32>
    %slice3A_22 = vector.extract_strided_slice %transpose3A {offsets = [6, 0], sizes = [1, 2048], strides = [1, 1]} : vector<8x2048xf32> to vector<1x2048xf32>
    %slice3A_23 = vector.extract_strided_slice %transpose3A {offsets = [7, 0], sizes = [1, 2048], strides = [1, 1]} : vector<8x2048xf32> to vector<1x2048xf32>
    %add3A_24 = arith.addf %slice3A, %slice3A_9 : vector<1x2048xf32>
    %add3A_25 = arith.addf %slice3A_10, %slice3A_11 : vector<1x2048xf32>
    %add3A_26 = arith.addf %slice3A_12, %slice3A_13 : vector<1x2048xf32>
    %add3A_27 = arith.addf %slice3A_14, %slice3A_15 : vector<1x2048xf32>
    %broadcast_in_dim3A = arith.constant 0.000000e+00 : f32
    %broadcast_in_dim3A_28 = vector.broadcast %broadcast_in_dim3A : f32 to vector<1x2048xf32>
    %gt3A = arith.cmpf ogt, %add3A_25, %add3A_24 : vector<1x2048xf32>
    %eq3A = arith.cmpf oeq, %add3A_25, %add3A_24 : vector<1x2048xf32>
    %and3A = arith.constant false
    %and3A_29 = vector.broadcast %and3A : i1 to vector<1x2048xi1>
    %and3A_30 = arith.andi %eq3A, %and3A_29 : vector<1x2048xi1>
    %or3A = arith.ori %gt3A, %and3A_30 : vector<1x2048xi1>
    %convert_element_type3A = arith.extui %or3A : vector<1x2048xi1> to vector<1x2048xi32>
    %convert_element_type3A_31 = arith.sitofp %convert_element_type3A : vector<1x2048xi32> to vector<1x2048xf32>
    %add3A_32 = arith.addf %broadcast_in_dim3A_28, %convert_element_type3A_31 : vector<1x2048xf32>
    %gt3A_33 = arith.cmpf ogt, %add3A_26, %add3A_24 : vector<1x2048xf32>
    %eq3A_34 = arith.cmpf oeq, %add3A_26, %add3A_24 : vector<1x2048xf32>
    %and3A_35 = arith.constant false
    %and3A_36 = vector.broadcast %and3A_35 : i1 to vector<1x2048xi1>
    %and3A_37 = arith.andi %eq3A_34, %and3A_36 : vector<1x2048xi1>
    %or3A_38 = arith.ori %gt3A_33, %and3A_37 : vector<1x2048xi1>
    %convert_element_type3A_39 = arith.extui %or3A_38 : vector<1x2048xi1> to vector<1x2048xi32>
    %convert_element_type3A_40 = arith.sitofp %convert_element_type3A_39 : vector<1x2048xi32> to vector<1x2048xf32>
    %add3A_41 = arith.addf %add3A_32, %convert_element_type3A_40 : vector<1x2048xf32>
    %gt3A_42 = arith.cmpf ogt, %add3A_27, %add3A_24 : vector<1x2048xf32>
    %eq3A_43 = arith.cmpf oeq, %add3A_27, %add3A_24 : vector<1x2048xf32>
    %and3A_44 = arith.constant false
    %and3A_45 = vector.broadcast %and3A_44 : i1 to vector<1x2048xi1>
    %and3A_46 = arith.andi %eq3A_43, %and3A_45 : vector<1x2048xi1>
    %or3A_47 = arith.ori %gt3A_42, %and3A_46 : vector<1x2048xi1>
    %convert_element_type3A_48 = arith.extui %or3A_47 : vector<1x2048xi1> to vector<1x2048xi32>
    %convert_element_type3A_49 = arith.sitofp %convert_element_type3A_48 : vector<1x2048xi32> to vector<1x2048xf32>
    %add3A_50 = arith.addf %add3A_41, %convert_element_type3A_49 : vector<1x2048xf32>
    %lt3A = arith.constant 2.000000e+00 : f32
    %lt3A_51 = vector.broadcast %lt3A : f32 to vector<1x2048xf32>
    %lt3A_52 = arith.cmpf olt, %add3A_50, %lt3A_51 : vector<1x2048xf32>
    %broadcast_in_dim3A_53 = arith.constant 0.000000e+00 : f32
    %broadcast_in_dim3A_54 = vector.broadcast %broadcast_in_dim3A_53 : f32 to vector<1x2048xf32>
    %gt3A_55 = arith.cmpf ogt, %add3A_24, %add3A_25 : vector<1x2048xf32>
    %eq3A_56 = arith.cmpf oeq, %add3A_24, %add3A_25 : vector<1x2048xf32>
    %and3A_57 = arith.constant true
    %and3A_58 = vector.broadcast %and3A_57 : i1 to vector<1x2048xi1>
    %and3A_59 = arith.andi %eq3A_56, %and3A_58 : vector<1x2048xi1>
    %or3A_60 = arith.ori %gt3A_55, %and3A_59 : vector<1x2048xi1>
    %convert_element_type3A_61 = arith.extui %or3A_60 : vector<1x2048xi1> to vector<1x2048xi32>
    %convert_element_type3A_62 = arith.sitofp %convert_element_type3A_61 : vector<1x2048xi32> to vector<1x2048xf32>
    %add3A_63 = arith.addf %broadcast_in_dim3A_54, %convert_element_type3A_62 : vector<1x2048xf32>
    %gt3A_64 = arith.cmpf ogt, %add3A_26, %add3A_25 : vector<1x2048xf32>
    %eq3A_65 = arith.cmpf oeq, %add3A_26, %add3A_25 : vector<1x2048xf32>
    %and3A_66 = arith.constant false
    %and3A_67 = vector.broadcast %and3A_66 : i1 to vector<1x2048xi1>
    %and3A_68 = arith.andi %eq3A_65, %and3A_67 : vector<1x2048xi1>
    %or3A_69 = arith.ori %gt3A_64, %and3A_68 : vector<1x2048xi1>
    %convert_element_type3A_70 = arith.extui %or3A_69 : vector<1x2048xi1> to vector<1x2048xi32>
    %convert_element_type3A_71 = arith.sitofp %convert_element_type3A_70 : vector<1x2048xi32> to vector<1x2048xf32>
    %add3A_72 = arith.addf %add3A_63, %convert_element_type3A_71 : vector<1x2048xf32>
    %gt3A_73 = arith.cmpf ogt, %add3A_27, %add3A_25 : vector<1x2048xf32>
    %eq3A_74 = arith.cmpf oeq, %add3A_27, %add3A_25 : vector<1x2048xf32>
    %and3A_75 = arith.constant false
    %and3A_76 = vector.broadcast %and3A_75 : i1 to vector<1x2048xi1>
    %and3A_77 = arith.andi %eq3A_74, %and3A_76 : vector<1x2048xi1>
    %or3A_78 = arith.ori %gt3A_73, %and3A_77 : vector<1x2048xi1>
    %convert_element_type3A_79 = arith.extui %or3A_78 : vector<1x2048xi1> to vector<1x2048xi32>
    %convert_element_type3A_80 = arith.sitofp %convert_element_type3A_79 : vector<1x2048xi32> to vector<1x2048xf32>
    %add3A_81 = arith.addf %add3A_72, %convert_element_type3A_80 : vector<1x2048xf32>
    %lt3A_82 = arith.constant 2.000000e+00 : f32
    %lt3A_83 = vector.broadcast %lt3A_82 : f32 to vector<1x2048xf32>
    %lt3A_84 = arith.cmpf olt, %add3A_81, %lt3A_83 : vector<1x2048xf32>
    %broadcast_in_dim3A_85 = arith.constant 0.000000e+00 : f32
    %broadcast_in_dim3A_86 = vector.broadcast %broadcast_in_dim3A_85 : f32 to vector<1x2048xf32>
    %gt3A_87 = arith.cmpf ogt, %add3A_24, %add3A_26 : vector<1x2048xf32>
    %eq3A_88 = arith.cmpf oeq, %add3A_24, %add3A_26 : vector<1x2048xf32>
    %and3A_89 = arith.constant true
    %and3A_90 = vector.broadcast %and3A_89 : i1 to vector<1x2048xi1>
    %and3A_91 = arith.andi %eq3A_88, %and3A_90 : vector<1x2048xi1>
    %or3A_92 = arith.ori %gt3A_87, %and3A_91 : vector<1x2048xi1>
    %convert_element_type3A_93 = arith.extui %or3A_92 : vector<1x2048xi1> to vector<1x2048xi32>
    %convert_element_type3A_94 = arith.sitofp %convert_element_type3A_93 : vector<1x2048xi32> to vector<1x2048xf32>
    %add3A_95 = arith.addf %broadcast_in_dim3A_86, %convert_element_type3A_94 : vector<1x2048xf32>
    %gt3A_96 = arith.cmpf ogt, %add3A_25, %add3A_26 : vector<1x2048xf32>
    %eq3A_97 = arith.cmpf oeq, %add3A_25, %add3A_26 : vector<1x2048xf32>
    %and3A_98 = arith.constant true
    %and3A_99 = vector.broadcast %and3A_98 : i1 to vector<1x2048xi1>
    %and3A_100 = arith.andi %eq3A_97, %and3A_99 : vector<1x2048xi1>
    %or3A_101 = arith.ori %gt3A_96, %and3A_100 : vector<1x2048xi1>
    %convert_element_type3A_102 = arith.extui %or3A_101 : vector<1x2048xi1> to vector<1x2048xi32>
    %convert_element_type3A_103 = arith.sitofp %convert_element_type3A_102 : vector<1x2048xi32> to vector<1x2048xf32>
    %add3A_104 = arith.addf %add3A_95, %convert_element_type3A_103 : vector<1x2048xf32>
    %gt3A_105 = arith.cmpf ogt, %add3A_27, %add3A_26 : vector<1x2048xf32>
    %eq3A_106 = arith.cmpf oeq, %add3A_27, %add3A_26 : vector<1x2048xf32>
    %and3A_107 = arith.constant false
    %and3A_108 = vector.broadcast %and3A_107 : i1 to vector<1x2048xi1>
    %and3A_109 = arith.andi %eq3A_106, %and3A_108 : vector<1x2048xi1>
    %or3A_110 = arith.ori %gt3A_105, %and3A_109 : vector<1x2048xi1>
    %convert_element_type3A_111 = arith.extui %or3A_110 : vector<1x2048xi1> to vector<1x2048xi32>
    %convert_element_type3A_112 = arith.sitofp %convert_element_type3A_111 : vector<1x2048xi32> to vector<1x2048xf32>
    %add3A_113 = arith.addf %add3A_104, %convert_element_type3A_112 : vector<1x2048xf32>
    %lt3A_114 = arith.constant 2.000000e+00 : f32
    %lt3A_115 = vector.broadcast %lt3A_114 : f32 to vector<1x2048xf32>
    %lt3A_116 = arith.cmpf olt, %add3A_113, %lt3A_115 : vector<1x2048xf32>
    %broadcast_in_dim3A_117 = arith.constant 0.000000e+00 : f32
    %broadcast_in_dim3A_118 = vector.broadcast %broadcast_in_dim3A_117 : f32 to vector<1x2048xf32>
    %gt3A_119 = arith.cmpf ogt, %add3A_24, %add3A_27 : vector<1x2048xf32>
    %eq3A_120 = arith.cmpf oeq, %add3A_24, %add3A_27 : vector<1x2048xf32>
    %and3A_121 = arith.constant true
    %and3A_122 = vector.broadcast %and3A_121 : i1 to vector<1x2048xi1>
    %and3A_123 = arith.andi %eq3A_120, %and3A_122 : vector<1x2048xi1>
    %or3A_124 = arith.ori %gt3A_119, %and3A_123 : vector<1x2048xi1>
    %convert_element_type3A_125 = arith.extui %or3A_124 : vector<1x2048xi1> to vector<1x2048xi32>
    %convert_element_type3A_126 = arith.sitofp %convert_element_type3A_125 : vector<1x2048xi32> to vector<1x2048xf32>
    %add3A_127 = arith.addf %broadcast_in_dim3A_118, %convert_element_type3A_126 : vector<1x2048xf32>
    %gt3A_128 = arith.cmpf ogt, %add3A_25, %add3A_27 : vector<1x2048xf32>
    %eq3A_129 = arith.cmpf oeq, %add3A_25, %add3A_27 : vector<1x2048xf32>
    %and3A_130 = arith.constant true
    %and3A_131 = vector.broadcast %and3A_130 : i1 to vector<1x2048xi1>
    %and3A_132 = arith.andi %eq3A_129, %and3A_131 : vector<1x2048xi1>
    %or3A_133 = arith.ori %gt3A_128, %and3A_132 : vector<1x2048xi1>
    %convert_element_type3A_134 = arith.extui %or3A_133 : vector<1x2048xi1> to vector<1x2048xi32>
    %convert_element_type3A_135 = arith.sitofp %convert_element_type3A_134 : vector<1x2048xi32> to vector<1x2048xf32>
    %add3A_136 = arith.addf %add3A_127, %convert_element_type3A_135 : vector<1x2048xf32>
    %gt3A_137 = arith.cmpf ogt, %add3A_26, %add3A_27 : vector<1x2048xf32>
    %eq3A_138 = arith.cmpf oeq, %add3A_26, %add3A_27 : vector<1x2048xf32>
    %and3A_139 = arith.constant true
    %and3A_140 = vector.broadcast %and3A_139 : i1 to vector<1x2048xi1>
    %and3A_141 = arith.andi %eq3A_138, %and3A_140 : vector<1x2048xi1>
    %or3A_142 = arith.ori %gt3A_137, %and3A_141 : vector<1x2048xi1>
    %convert_element_type3A_143 = arith.extui %or3A_142 : vector<1x2048xi1> to vector<1x2048xi32>
    %convert_element_type3A_144 = arith.sitofp %convert_element_type3A_143 : vector<1x2048xi32> to vector<1x2048xf32>
    %add3A_145 = arith.addf %add3A_136, %convert_element_type3A_144 : vector<1x2048xf32>
    %lt3A_146 = arith.constant 2.000000e+00 : f32
    %lt3A_147 = vector.broadcast %lt3A_146 : f32 to vector<1x2048xf32>
    %lt3A_148 = arith.cmpf olt, %add3A_145, %lt3A_147 : vector<1x2048xf32>
    %jit3A = arith.constant 0.000000e+00 : f32
    %broadcast_in_dim3A_149 = vector.broadcast %jit3A : f32 to vector<1x2048xf32>
    %select_n3A = arith.select %lt3A_52, %slice3A, %broadcast_in_dim3A_149 : vector<1x2048xi1>, vector<1x2048xf32>
    %jit3A_150 = arith.constant 0.000000e+00 : f32
    %broadcast_in_dim3A_151 = vector.broadcast %jit3A_150 : f32 to vector<1x2048xf32>
    %select_n3A_152 = arith.select %lt3A_52, %slice3A_9, %broadcast_in_dim3A_151 : vector<1x2048xi1>, vector<1x2048xf32>
    %jit3A_153 = arith.constant 0.000000e+00 : f32
    %broadcast_in_dim3A_154 = vector.broadcast %jit3A_153 : f32 to vector<1x2048xf32>
    %select_n3A_155 = arith.select %lt3A_84, %slice3A_10, %broadcast_in_dim3A_154 : vector<1x2048xi1>, vector<1x2048xf32>
    %jit3A_156 = arith.constant 0.000000e+00 : f32
    %broadcast_in_dim3A_157 = vector.broadcast %jit3A_156 : f32 to vector<1x2048xf32>
    %select_n3A_158 = arith.select %lt3A_84, %slice3A_11, %broadcast_in_dim3A_157 : vector<1x2048xi1>, vector<1x2048xf32>
    %jit3A_159 = arith.constant 0.000000e+00 : f32
    %broadcast_in_dim3A_160 = vector.broadcast %jit3A_159 : f32 to vector<1x2048xf32>
    %select_n3A_161 = arith.select %lt3A_116, %slice3A_12, %broadcast_in_dim3A_160 : vector<1x2048xi1>, vector<1x2048xf32>
    %jit3A_162 = arith.constant 0.000000e+00 : f32
    %broadcast_in_dim3A_163 = vector.broadcast %jit3A_162 : f32 to vector<1x2048xf32>
    %select_n3A_164 = arith.select %lt3A_116, %slice3A_13, %broadcast_in_dim3A_163 : vector<1x2048xi1>, vector<1x2048xf32>
    %jit3A_165 = arith.constant 0.000000e+00 : f32
    %broadcast_in_dim3A_166 = vector.broadcast %jit3A_165 : f32 to vector<1x2048xf32>
    %select_n3A_167 = arith.select %lt3A_148, %slice3A_14, %broadcast_in_dim3A_166 : vector<1x2048xi1>, vector<1x2048xf32>
    %jit3A_168 = arith.constant 0.000000e+00 : f32
    %broadcast_in_dim3A_169 = vector.broadcast %jit3A_168 : f32 to vector<1x2048xf32>
    %select_n3A_170 = arith.select %lt3A_148, %slice3A_15, %broadcast_in_dim3A_169 : vector<1x2048xi1>, vector<1x2048xf32>
    %broadcast_in_dim3A_171 = arith.constant 0.000000e+00 : f32
    %broadcast_in_dim3A_172 = vector.broadcast %broadcast_in_dim3A_171 : f32 to vector<1x2048xf32>
    %gt3A_173 = arith.cmpf ogt, %select_n3A_152, %select_n3A : vector<1x2048xf32>
    %eq3A_174 = arith.cmpf oeq, %select_n3A_152, %select_n3A : vector<1x2048xf32>
    %and3A_175 = arith.constant false
    %and3A_176 = vector.broadcast %and3A_175 : i1 to vector<1x2048xi1>
    %and3A_177 = arith.andi %eq3A_174, %and3A_176 : vector<1x2048xi1>
    %or3A_178 = arith.ori %gt3A_173, %and3A_177 : vector<1x2048xi1>
    %convert_element_type3A_179 = arith.extui %or3A_178 : vector<1x2048xi1> to vector<1x2048xi32>
    %convert_element_type3A_180 = arith.sitofp %convert_element_type3A_179 : vector<1x2048xi32> to vector<1x2048xf32>
    %add3A_181 = arith.addf %broadcast_in_dim3A_172, %convert_element_type3A_180 : vector<1x2048xf32>
    %gt3A_182 = arith.cmpf ogt, %select_n3A_155, %select_n3A : vector<1x2048xf32>
    %eq3A_183 = arith.cmpf oeq, %select_n3A_155, %select_n3A : vector<1x2048xf32>
    %and3A_184 = arith.constant false
    %and3A_185 = vector.broadcast %and3A_184 : i1 to vector<1x2048xi1>
    %and3A_186 = arith.andi %eq3A_183, %and3A_185 : vector<1x2048xi1>
    %or3A_187 = arith.ori %gt3A_182, %and3A_186 : vector<1x2048xi1>
    %convert_element_type3A_188 = arith.extui %or3A_187 : vector<1x2048xi1> to vector<1x2048xi32>
    %convert_element_type3A_189 = arith.sitofp %convert_element_type3A_188 : vector<1x2048xi32> to vector<1x2048xf32>
    %add3A_190 = arith.addf %add3A_181, %convert_element_type3A_189 : vector<1x2048xf32>
    %gt3A_191 = arith.cmpf ogt, %select_n3A_158, %select_n3A : vector<1x2048xf32>
    %eq3A_192 = arith.cmpf oeq, %select_n3A_158, %select_n3A : vector<1x2048xf32>
    %and3A_193 = arith.constant false
    %and3A_194 = vector.broadcast %and3A_193 : i1 to vector<1x2048xi1>
    %and3A_195 = arith.andi %eq3A_192, %and3A_194 : vector<1x2048xi1>
    %or3A_196 = arith.ori %gt3A_191, %and3A_195 : vector<1x2048xi1>
    %convert_element_type3A_197 = arith.extui %or3A_196 : vector<1x2048xi1> to vector<1x2048xi32>
    %convert_element_type3A_198 = arith.sitofp %convert_element_type3A_197 : vector<1x2048xi32> to vector<1x2048xf32>
    %add3A_199 = arith.addf %add3A_190, %convert_element_type3A_198 : vector<1x2048xf32>
    %gt3A_200 = arith.cmpf ogt, %select_n3A_161, %select_n3A : vector<1x2048xf32>
    %eq3A_201 = arith.cmpf oeq, %select_n3A_161, %select_n3A : vector<1x2048xf32>
    %and3A_202 = arith.constant false
    %and3A_203 = vector.broadcast %and3A_202 : i1 to vector<1x2048xi1>
    %and3A_204 = arith.andi %eq3A_201, %and3A_203 : vector<1x2048xi1>
    %or3A_205 = arith.ori %gt3A_200, %and3A_204 : vector<1x2048xi1>
    %convert_element_type3A_206 = arith.extui %or3A_205 : vector<1x2048xi1> to vector<1x2048xi32>
    %convert_element_type3A_207 = arith.sitofp %convert_element_type3A_206 : vector<1x2048xi32> to vector<1x2048xf32>
    %add3A_208 = arith.addf %add3A_199, %convert_element_type3A_207 : vector<1x2048xf32>
    %gt3A_209 = arith.cmpf ogt, %select_n3A_164, %select_n3A : vector<1x2048xf32>
    %eq3A_210 = arith.cmpf oeq, %select_n3A_164, %select_n3A : vector<1x2048xf32>
    %and3A_211 = arith.constant false
    %and3A_212 = vector.broadcast %and3A_211 : i1 to vector<1x2048xi1>
    %and3A_213 = arith.andi %eq3A_210, %and3A_212 : vector<1x2048xi1>
    %or3A_214 = arith.ori %gt3A_209, %and3A_213 : vector<1x2048xi1>
    %convert_element_type3A_215 = arith.extui %or3A_214 : vector<1x2048xi1> to vector<1x2048xi32>
    %convert_element_type3A_216 = arith.sitofp %convert_element_type3A_215 : vector<1x2048xi32> to vector<1x2048xf32>
    %add3A_217 = arith.addf %add3A_208, %convert_element_type3A_216 : vector<1x2048xf32>
    %gt3A_218 = arith.cmpf ogt, %select_n3A_167, %select_n3A : vector<1x2048xf32>
    %eq3A_219 = arith.cmpf oeq, %select_n3A_167, %select_n3A : vector<1x2048xf32>
    %and3A_220 = arith.constant false
    %and3A_221 = vector.broadcast %and3A_220 : i1 to vector<1x2048xi1>
    %and3A_222 = arith.andi %eq3A_219, %and3A_221 : vector<1x2048xi1>
    %or3A_223 = arith.ori %gt3A_218, %and3A_222 : vector<1x2048xi1>
    %convert_element_type3A_224 = arith.extui %or3A_223 : vector<1x2048xi1> to vector<1x2048xi32>
    %convert_element_type3A_225 = arith.sitofp %convert_element_type3A_224 : vector<1x2048xi32> to vector<1x2048xf32>
    %add3A_226 = arith.addf %add3A_217, %convert_element_type3A_225 : vector<1x2048xf32>
    %gt3A_227 = arith.cmpf ogt, %select_n3A_170, %select_n3A : vector<1x2048xf32>
    %eq3A_228 = arith.cmpf oeq, %select_n3A_170, %select_n3A : vector<1x2048xf32>
    %and3A_229 = arith.constant false
    %and3A_230 = vector.broadcast %and3A_229 : i1 to vector<1x2048xi1>
    %and3A_231 = arith.andi %eq3A_228, %and3A_230 : vector<1x2048xi1>
    %or3A_232 = arith.ori %gt3A_227, %and3A_231 : vector<1x2048xi1>
    %convert_element_type3A_233 = arith.extui %or3A_232 : vector<1x2048xi1> to vector<1x2048xi32>
    %convert_element_type3A_234 = arith.sitofp %convert_element_type3A_233 : vector<1x2048xi32> to vector<1x2048xf32>
    %add3A_235 = arith.addf %add3A_226, %convert_element_type3A_234 : vector<1x2048xf32>
    %lt3A_236 = arith.constant 2.000000e+00 : f32
    %lt3A_237 = vector.broadcast %lt3A_236 : f32 to vector<1x2048xf32>
    %lt3A_238 = arith.cmpf olt, %add3A_235, %lt3A_237 : vector<1x2048xf32>
    %broadcast_in_dim3A_239 = arith.constant 0.000000e+00 : f32
    %broadcast_in_dim3A_240 = vector.broadcast %broadcast_in_dim3A_239 : f32 to vector<1x2048xf32>
    %gt3A_241 = arith.cmpf ogt, %select_n3A, %select_n3A_152 : vector<1x2048xf32>
    %eq3A_242 = arith.cmpf oeq, %select_n3A, %select_n3A_152 : vector<1x2048xf32>
    %and3A_243 = arith.constant true
    %and3A_244 = vector.broadcast %and3A_243 : i1 to vector<1x2048xi1>
    %and3A_245 = arith.andi %eq3A_242, %and3A_244 : vector<1x2048xi1>
    %or3A_246 = arith.ori %gt3A_241, %and3A_245 : vector<1x2048xi1>
    %convert_element_type3A_247 = arith.extui %or3A_246 : vector<1x2048xi1> to vector<1x2048xi32>
    %convert_element_type3A_248 = arith.sitofp %convert_element_type3A_247 : vector<1x2048xi32> to vector<1x2048xf32>
    %add3A_249 = arith.addf %broadcast_in_dim3A_240, %convert_element_type3A_248 : vector<1x2048xf32>
    %gt3A_250 = arith.cmpf ogt, %select_n3A_155, %select_n3A_152 : vector<1x2048xf32>
    %eq3A_251 = arith.cmpf oeq, %select_n3A_155, %select_n3A_152 : vector<1x2048xf32>
    %and3A_252 = arith.constant false
    %and3A_253 = vector.broadcast %and3A_252 : i1 to vector<1x2048xi1>
    %and3A_254 = arith.andi %eq3A_251, %and3A_253 : vector<1x2048xi1>
    %or3A_255 = arith.ori %gt3A_250, %and3A_254 : vector<1x2048xi1>
    %convert_element_type3A_256 = arith.extui %or3A_255 : vector<1x2048xi1> to vector<1x2048xi32>
    %convert_element_type3A_257 = arith.sitofp %convert_element_type3A_256 : vector<1x2048xi32> to vector<1x2048xf32>
    %add3A_258 = arith.addf %add3A_249, %convert_element_type3A_257 : vector<1x2048xf32>
    %gt3A_259 = arith.cmpf ogt, %select_n3A_158, %select_n3A_152 : vector<1x2048xf32>
    %eq3A_260 = arith.cmpf oeq, %select_n3A_158, %select_n3A_152 : vector<1x2048xf32>
    %and3A_261 = arith.constant false
    %and3A_262 = vector.broadcast %and3A_261 : i1 to vector<1x2048xi1>
    %and3A_263 = arith.andi %eq3A_260, %and3A_262 : vector<1x2048xi1>
    %or3A_264 = arith.ori %gt3A_259, %and3A_263 : vector<1x2048xi1>
    %convert_element_type3A_265 = arith.extui %or3A_264 : vector<1x2048xi1> to vector<1x2048xi32>
    %convert_element_type3A_266 = arith.sitofp %convert_element_type3A_265 : vector<1x2048xi32> to vector<1x2048xf32>
    %add3A_267 = arith.addf %add3A_258, %convert_element_type3A_266 : vector<1x2048xf32>
    %gt3A_268 = arith.cmpf ogt, %select_n3A_161, %select_n3A_152 : vector<1x2048xf32>
    %eq3A_269 = arith.cmpf oeq, %select_n3A_161, %select_n3A_152 : vector<1x2048xf32>
    %and3A_270 = arith.constant false
    %and3A_271 = vector.broadcast %and3A_270 : i1 to vector<1x2048xi1>
    %and3A_272 = arith.andi %eq3A_269, %and3A_271 : vector<1x2048xi1>
    %or3A_273 = arith.ori %gt3A_268, %and3A_272 : vector<1x2048xi1>
    %convert_element_type3A_274 = arith.extui %or3A_273 : vector<1x2048xi1> to vector<1x2048xi32>
    %convert_element_type3A_275 = arith.sitofp %convert_element_type3A_274 : vector<1x2048xi32> to vector<1x2048xf32>
    %add3A_276 = arith.addf %add3A_267, %convert_element_type3A_275 : vector<1x2048xf32>
    %gt3A_277 = arith.cmpf ogt, %select_n3A_164, %select_n3A_152 : vector<1x2048xf32>
    %eq3A_278 = arith.cmpf oeq, %select_n3A_164, %select_n3A_152 : vector<1x2048xf32>
    %and3A_279 = arith.constant false
    %and3A_280 = vector.broadcast %and3A_279 : i1 to vector<1x2048xi1>
    %and3A_281 = arith.andi %eq3A_278, %and3A_280 : vector<1x2048xi1>
    %or3A_282 = arith.ori %gt3A_277, %and3A_281 : vector<1x2048xi1>
    %convert_element_type3A_283 = arith.extui %or3A_282 : vector<1x2048xi1> to vector<1x2048xi32>
    %convert_element_type3A_284 = arith.sitofp %convert_element_type3A_283 : vector<1x2048xi32> to vector<1x2048xf32>
    %add3A_285 = arith.addf %add3A_276, %convert_element_type3A_284 : vector<1x2048xf32>
    %gt3A_286 = arith.cmpf ogt, %select_n3A_167, %select_n3A_152 : vector<1x2048xf32>
    %eq3A_287 = arith.cmpf oeq, %select_n3A_167, %select_n3A_152 : vector<1x2048xf32>
    %and3A_288 = arith.constant false
    %and3A_289 = vector.broadcast %and3A_288 : i1 to vector<1x2048xi1>
    %and3A_290 = arith.andi %eq3A_287, %and3A_289 : vector<1x2048xi1>
    %or3A_291 = arith.ori %gt3A_286, %and3A_290 : vector<1x2048xi1>
    %convert_element_type3A_292 = arith.extui %or3A_291 : vector<1x2048xi1> to vector<1x2048xi32>
    %convert_element_type3A_293 = arith.sitofp %convert_element_type3A_292 : vector<1x2048xi32> to vector<1x2048xf32>
    %add3A_294 = arith.addf %add3A_285, %convert_element_type3A_293 : vector<1x2048xf32>
    %gt3A_295 = arith.cmpf ogt, %select_n3A_170, %select_n3A_152 : vector<1x2048xf32>
    %eq3A_296 = arith.cmpf oeq, %select_n3A_170, %select_n3A_152 : vector<1x2048xf32>
    %and3A_297 = arith.constant false
    %and3A_298 = vector.broadcast %and3A_297 : i1 to vector<1x2048xi1>
    %and3A_299 = arith.andi %eq3A_296, %and3A_298 : vector<1x2048xi1>
    %or3A_300 = arith.ori %gt3A_295, %and3A_299 : vector<1x2048xi1>
    %convert_element_type3A_301 = arith.extui %or3A_300 : vector<1x2048xi1> to vector<1x2048xi32>
    %convert_element_type3A_302 = arith.sitofp %convert_element_type3A_301 : vector<1x2048xi32> to vector<1x2048xf32>
    %add3A_303 = arith.addf %add3A_294, %convert_element_type3A_302 : vector<1x2048xf32>
    %lt3A_304 = arith.constant 2.000000e+00 : f32
    %lt3A_305 = vector.broadcast %lt3A_304 : f32 to vector<1x2048xf32>
    %lt3A_306 = arith.cmpf olt, %add3A_303, %lt3A_305 : vector<1x2048xf32>
    %broadcast_in_dim3A_307 = arith.constant 0.000000e+00 : f32
    %broadcast_in_dim3A_308 = vector.broadcast %broadcast_in_dim3A_307 : f32 to vector<1x2048xf32>
    %gt3A_309 = arith.cmpf ogt, %select_n3A, %select_n3A_155 : vector<1x2048xf32>
    %eq3A_310 = arith.cmpf oeq, %select_n3A, %select_n3A_155 : vector<1x2048xf32>
    %and3A_311 = arith.constant true
    %and3A_312 = vector.broadcast %and3A_311 : i1 to vector<1x2048xi1>
    %and3A_313 = arith.andi %eq3A_310, %and3A_312 : vector<1x2048xi1>
    %or3A_314 = arith.ori %gt3A_309, %and3A_313 : vector<1x2048xi1>
    %convert_element_type3A_315 = arith.extui %or3A_314 : vector<1x2048xi1> to vector<1x2048xi32>
    %convert_element_type3A_316 = arith.sitofp %convert_element_type3A_315 : vector<1x2048xi32> to vector<1x2048xf32>
    %add3A_317 = arith.addf %broadcast_in_dim3A_308, %convert_element_type3A_316 : vector<1x2048xf32>
    %gt3A_318 = arith.cmpf ogt, %select_n3A_152, %select_n3A_155 : vector<1x2048xf32>
    %eq3A_319 = arith.cmpf oeq, %select_n3A_152, %select_n3A_155 : vector<1x2048xf32>
    %and3A_320 = arith.constant true
    %and3A_321 = vector.broadcast %and3A_320 : i1 to vector<1x2048xi1>
    %and3A_322 = arith.andi %eq3A_319, %and3A_321 : vector<1x2048xi1>
    %or3A_323 = arith.ori %gt3A_318, %and3A_322 : vector<1x2048xi1>
    %convert_element_type3A_324 = arith.extui %or3A_323 : vector<1x2048xi1> to vector<1x2048xi32>
    %convert_element_type3A_325 = arith.sitofp %convert_element_type3A_324 : vector<1x2048xi32> to vector<1x2048xf32>
    %add3A_326 = arith.addf %add3A_317, %convert_element_type3A_325 : vector<1x2048xf32>
    %gt3A_327 = arith.cmpf ogt, %select_n3A_158, %select_n3A_155 : vector<1x2048xf32>
    %eq3A_328 = arith.cmpf oeq, %select_n3A_158, %select_n3A_155 : vector<1x2048xf32>
    %and3A_329 = arith.constant false
    %and3A_330 = vector.broadcast %and3A_329 : i1 to vector<1x2048xi1>
    %and3A_331 = arith.andi %eq3A_328, %and3A_330 : vector<1x2048xi1>
    %or3A_332 = arith.ori %gt3A_327, %and3A_331 : vector<1x2048xi1>
    %convert_element_type3A_333 = arith.extui %or3A_332 : vector<1x2048xi1> to vector<1x2048xi32>
    %convert_element_type3A_334 = arith.sitofp %convert_element_type3A_333 : vector<1x2048xi32> to vector<1x2048xf32>
    %add3A_335 = arith.addf %add3A_326, %convert_element_type3A_334 : vector<1x2048xf32>
    %gt3A_336 = arith.cmpf ogt, %select_n3A_161, %select_n3A_155 : vector<1x2048xf32>
    %eq3A_337 = arith.cmpf oeq, %select_n3A_161, %select_n3A_155 : vector<1x2048xf32>
    %and3A_338 = arith.constant false
    %and3A_339 = vector.broadcast %and3A_338 : i1 to vector<1x2048xi1>
    %and3A_340 = arith.andi %eq3A_337, %and3A_339 : vector<1x2048xi1>
    %or3A_341 = arith.ori %gt3A_336, %and3A_340 : vector<1x2048xi1>
    %convert_element_type3A_342 = arith.extui %or3A_341 : vector<1x2048xi1> to vector<1x2048xi32>
    %convert_element_type3A_343 = arith.sitofp %convert_element_type3A_342 : vector<1x2048xi32> to vector<1x2048xf32>
    %add3A_344 = arith.addf %add3A_335, %convert_element_type3A_343 : vector<1x2048xf32>
    %gt3A_345 = arith.cmpf ogt, %select_n3A_164, %select_n3A_155 : vector<1x2048xf32>
    %eq3A_346 = arith.cmpf oeq, %select_n3A_164, %select_n3A_155 : vector<1x2048xf32>
    %and3A_347 = arith.constant false
    %and3A_348 = vector.broadcast %and3A_347 : i1 to vector<1x2048xi1>
    %and3A_349 = arith.andi %eq3A_346, %and3A_348 : vector<1x2048xi1>
    %or3A_350 = arith.ori %gt3A_345, %and3A_349 : vector<1x2048xi1>
    %convert_element_type3A_351 = arith.extui %or3A_350 : vector<1x2048xi1> to vector<1x2048xi32>
    %convert_element_type3A_352 = arith.sitofp %convert_element_type3A_351 : vector<1x2048xi32> to vector<1x2048xf32>
    %add3A_353 = arith.addf %add3A_344, %convert_element_type3A_352 : vector<1x2048xf32>
    %gt3A_354 = arith.cmpf ogt, %select_n3A_167, %select_n3A_155 : vector<1x2048xf32>
    %eq3A_355 = arith.cmpf oeq, %select_n3A_167, %select_n3A_155 : vector<1x2048xf32>
    %and3A_356 = arith.constant false
    %and3A_357 = vector.broadcast %and3A_356 : i1 to vector<1x2048xi1>
    %and3A_358 = arith.andi %eq3A_355, %and3A_357 : vector<1x2048xi1>
    %or3A_359 = arith.ori %gt3A_354, %and3A_358 : vector<1x2048xi1>
    %convert_element_type3A_360 = arith.extui %or3A_359 : vector<1x2048xi1> to vector<1x2048xi32>
    %convert_element_type3A_361 = arith.sitofp %convert_element_type3A_360 : vector<1x2048xi32> to vector<1x2048xf32>
    %add3A_362 = arith.addf %add3A_353, %convert_element_type3A_361 : vector<1x2048xf32>
    %gt3A_363 = arith.cmpf ogt, %select_n3A_170, %select_n3A_155 : vector<1x2048xf32>
    %eq3A_364 = arith.cmpf oeq, %select_n3A_170, %select_n3A_155 : vector<1x2048xf32>
    %and3A_365 = arith.constant false
    %and3A_366 = vector.broadcast %and3A_365 : i1 to vector<1x2048xi1>
    %and3A_367 = arith.andi %eq3A_364, %and3A_366 : vector<1x2048xi1>
    %or3A_368 = arith.ori %gt3A_363, %and3A_367 : vector<1x2048xi1>
    %convert_element_type3A_369 = arith.extui %or3A_368 : vector<1x2048xi1> to vector<1x2048xi32>
    %convert_element_type3A_370 = arith.sitofp %convert_element_type3A_369 : vector<1x2048xi32> to vector<1x2048xf32>
    %add3A_371 = arith.addf %add3A_362, %convert_element_type3A_370 : vector<1x2048xf32>
    %lt3A_372 = arith.constant 2.000000e+00 : f32
    %lt3A_373 = vector.broadcast %lt3A_372 : f32 to vector<1x2048xf32>
    %lt3A_374 = arith.cmpf olt, %add3A_371, %lt3A_373 : vector<1x2048xf32>
    %broadcast_in_dim3A_375 = arith.constant 0.000000e+00 : f32
    %broadcast_in_dim3A_376 = vector.broadcast %broadcast_in_dim3A_375 : f32 to vector<1x2048xf32>
    %gt3A_377 = arith.cmpf ogt, %select_n3A, %select_n3A_158 : vector<1x2048xf32>
    %eq3A_378 = arith.cmpf oeq, %select_n3A, %select_n3A_158 : vector<1x2048xf32>
    %and3A_379 = arith.constant true
    %and3A_380 = vector.broadcast %and3A_379 : i1 to vector<1x2048xi1>
    %and3A_381 = arith.andi %eq3A_378, %and3A_380 : vector<1x2048xi1>
    %or3A_382 = arith.ori %gt3A_377, %and3A_381 : vector<1x2048xi1>
    %convert_element_type3A_383 = arith.extui %or3A_382 : vector<1x2048xi1> to vector<1x2048xi32>
    %convert_element_type3A_384 = arith.sitofp %convert_element_type3A_383 : vector<1x2048xi32> to vector<1x2048xf32>
    %add3A_385 = arith.addf %broadcast_in_dim3A_376, %convert_element_type3A_384 : vector<1x2048xf32>
    %gt3A_386 = arith.cmpf ogt, %select_n3A_152, %select_n3A_158 : vector<1x2048xf32>
    %eq3A_387 = arith.cmpf oeq, %select_n3A_152, %select_n3A_158 : vector<1x2048xf32>
    %and3A_388 = arith.constant true
    %and3A_389 = vector.broadcast %and3A_388 : i1 to vector<1x2048xi1>
    %and3A_390 = arith.andi %eq3A_387, %and3A_389 : vector<1x2048xi1>
    %or3A_391 = arith.ori %gt3A_386, %and3A_390 : vector<1x2048xi1>
    %convert_element_type3A_392 = arith.extui %or3A_391 : vector<1x2048xi1> to vector<1x2048xi32>
    %convert_element_type3A_393 = arith.sitofp %convert_element_type3A_392 : vector<1x2048xi32> to vector<1x2048xf32>
    %add3A_394 = arith.addf %add3A_385, %convert_element_type3A_393 : vector<1x2048xf32>
    %gt3A_395 = arith.cmpf ogt, %select_n3A_155, %select_n3A_158 : vector<1x2048xf32>
    %eq3A_396 = arith.cmpf oeq, %select_n3A_155, %select_n3A_158 : vector<1x2048xf32>
    %and3A_397 = arith.constant true
    %and3A_398 = vector.broadcast %and3A_397 : i1 to vector<1x2048xi1>
    %and3A_399 = arith.andi %eq3A_396, %and3A_398 : vector<1x2048xi1>
    %or3A_400 = arith.ori %gt3A_395, %and3A_399 : vector<1x2048xi1>
    %convert_element_type3A_401 = arith.extui %or3A_400 : vector<1x2048xi1> to vector<1x2048xi32>
    %convert_element_type3A_402 = arith.sitofp %convert_element_type3A_401 : vector<1x2048xi32> to vector<1x2048xf32>
    %add3A_403 = arith.addf %add3A_394, %convert_element_type3A_402 : vector<1x2048xf32>
    %gt3A_404 = arith.cmpf ogt, %select_n3A_161, %select_n3A_158 : vector<1x2048xf32>
    %eq3A_405 = arith.cmpf oeq, %select_n3A_161, %select_n3A_158 : vector<1x2048xf32>
    %and3A_406 = arith.constant false
    %and3A_407 = vector.broadcast %and3A_406 : i1 to vector<1x2048xi1>
    %and3A_408 = arith.andi %eq3A_405, %and3A_407 : vector<1x2048xi1>
    %or3A_409 = arith.ori %gt3A_404, %and3A_408 : vector<1x2048xi1>
    %convert_element_type3A_410 = arith.extui %or3A_409 : vector<1x2048xi1> to vector<1x2048xi32>
    %convert_element_type3A_411 = arith.sitofp %convert_element_type3A_410 : vector<1x2048xi32> to vector<1x2048xf32>
    %add3A_412 = arith.addf %add3A_403, %convert_element_type3A_411 : vector<1x2048xf32>
    %gt3A_413 = arith.cmpf ogt, %select_n3A_164, %select_n3A_158 : vector<1x2048xf32>
    %eq3A_414 = arith.cmpf oeq, %select_n3A_164, %select_n3A_158 : vector<1x2048xf32>
    %and3A_415 = arith.constant false
    %and3A_416 = vector.broadcast %and3A_415 : i1 to vector<1x2048xi1>
    %and3A_417 = arith.andi %eq3A_414, %and3A_416 : vector<1x2048xi1>
    %or3A_418 = arith.ori %gt3A_413, %and3A_417 : vector<1x2048xi1>
    %convert_element_type3A_419 = arith.extui %or3A_418 : vector<1x2048xi1> to vector<1x2048xi32>
    %convert_element_type3A_420 = arith.sitofp %convert_element_type3A_419 : vector<1x2048xi32> to vector<1x2048xf32>
    %add3A_421 = arith.addf %add3A_412, %convert_element_type3A_420 : vector<1x2048xf32>
    %gt3A_422 = arith.cmpf ogt, %select_n3A_167, %select_n3A_158 : vector<1x2048xf32>
    %eq3A_423 = arith.cmpf oeq, %select_n3A_167, %select_n3A_158 : vector<1x2048xf32>
    %and3A_424 = arith.constant false
    %and3A_425 = vector.broadcast %and3A_424 : i1 to vector<1x2048xi1>
    %and3A_426 = arith.andi %eq3A_423, %and3A_425 : vector<1x2048xi1>
    %or3A_427 = arith.ori %gt3A_422, %and3A_426 : vector<1x2048xi1>
    %convert_element_type3A_428 = arith.extui %or3A_427 : vector<1x2048xi1> to vector<1x2048xi32>
    %convert_element_type3A_429 = arith.sitofp %convert_element_type3A_428 : vector<1x2048xi32> to vector<1x2048xf32>
    %add3A_430 = arith.addf %add3A_421, %convert_element_type3A_429 : vector<1x2048xf32>
    %gt3A_431 = arith.cmpf ogt, %select_n3A_170, %select_n3A_158 : vector<1x2048xf32>
    %eq3A_432 = arith.cmpf oeq, %select_n3A_170, %select_n3A_158 : vector<1x2048xf32>
    %and3A_433 = arith.constant false
    %and3A_434 = vector.broadcast %and3A_433 : i1 to vector<1x2048xi1>
    %and3A_435 = arith.andi %eq3A_432, %and3A_434 : vector<1x2048xi1>
    %or3A_436 = arith.ori %gt3A_431, %and3A_435 : vector<1x2048xi1>
    %convert_element_type3A_437 = arith.extui %or3A_436 : vector<1x2048xi1> to vector<1x2048xi32>
    %convert_element_type3A_438 = arith.sitofp %convert_element_type3A_437 : vector<1x2048xi32> to vector<1x2048xf32>
    %add3A_439 = arith.addf %add3A_430, %convert_element_type3A_438 : vector<1x2048xf32>
    %lt3A_440 = arith.constant 2.000000e+00 : f32
    %lt3A_441 = vector.broadcast %lt3A_440 : f32 to vector<1x2048xf32>
    %lt3A_442 = arith.cmpf olt, %add3A_439, %lt3A_441 : vector<1x2048xf32>
    %broadcast_in_dim3A_443 = arith.constant 0.000000e+00 : f32
    %broadcast_in_dim3A_444 = vector.broadcast %broadcast_in_dim3A_443 : f32 to vector<1x2048xf32>
    %gt3A_445 = arith.cmpf ogt, %select_n3A, %select_n3A_161 : vector<1x2048xf32>
    %eq3A_446 = arith.cmpf oeq, %select_n3A, %select_n3A_161 : vector<1x2048xf32>
    %and3A_447 = arith.constant true
    %and3A_448 = vector.broadcast %and3A_447 : i1 to vector<1x2048xi1>
    %and3A_449 = arith.andi %eq3A_446, %and3A_448 : vector<1x2048xi1>
    %or3A_450 = arith.ori %gt3A_445, %and3A_449 : vector<1x2048xi1>
    %convert_element_type3A_451 = arith.extui %or3A_450 : vector<1x2048xi1> to vector<1x2048xi32>
    %convert_element_type3A_452 = arith.sitofp %convert_element_type3A_451 : vector<1x2048xi32> to vector<1x2048xf32>
    %add3A_453 = arith.addf %broadcast_in_dim3A_444, %convert_element_type3A_452 : vector<1x2048xf32>
    %gt3A_454 = arith.cmpf ogt, %select_n3A_152, %select_n3A_161 : vector<1x2048xf32>
    %eq3A_455 = arith.cmpf oeq, %select_n3A_152, %select_n3A_161 : vector<1x2048xf32>
    %and3A_456 = arith.constant true
    %and3A_457 = vector.broadcast %and3A_456 : i1 to vector<1x2048xi1>
    %and3A_458 = arith.andi %eq3A_455, %and3A_457 : vector<1x2048xi1>
    %or3A_459 = arith.ori %gt3A_454, %and3A_458 : vector<1x2048xi1>
    %convert_element_type3A_460 = arith.extui %or3A_459 : vector<1x2048xi1> to vector<1x2048xi32>
    %convert_element_type3A_461 = arith.sitofp %convert_element_type3A_460 : vector<1x2048xi32> to vector<1x2048xf32>
    %add3A_462 = arith.addf %add3A_453, %convert_element_type3A_461 : vector<1x2048xf32>
    %gt3A_463 = arith.cmpf ogt, %select_n3A_155, %select_n3A_161 : vector<1x2048xf32>
    %eq3A_464 = arith.cmpf oeq, %select_n3A_155, %select_n3A_161 : vector<1x2048xf32>
    %and3A_465 = arith.constant true
    %and3A_466 = vector.broadcast %and3A_465 : i1 to vector<1x2048xi1>
    %and3A_467 = arith.andi %eq3A_464, %and3A_466 : vector<1x2048xi1>
    %or3A_468 = arith.ori %gt3A_463, %and3A_467 : vector<1x2048xi1>
    %convert_element_type3A_469 = arith.extui %or3A_468 : vector<1x2048xi1> to vector<1x2048xi32>
    %convert_element_type3A_470 = arith.sitofp %convert_element_type3A_469 : vector<1x2048xi32> to vector<1x2048xf32>
    %add3A_471 = arith.addf %add3A_462, %convert_element_type3A_470 : vector<1x2048xf32>
    %gt3A_472 = arith.cmpf ogt, %select_n3A_158, %select_n3A_161 : vector<1x2048xf32>
    %eq3A_473 = arith.cmpf oeq, %select_n3A_158, %select_n3A_161 : vector<1x2048xf32>
    %and3A_474 = arith.constant true
    %and3A_475 = vector.broadcast %and3A_474 : i1 to vector<1x2048xi1>
    %and3A_476 = arith.andi %eq3A_473, %and3A_475 : vector<1x2048xi1>
    %or3A_477 = arith.ori %gt3A_472, %and3A_476 : vector<1x2048xi1>
    %convert_element_type3A_478 = arith.extui %or3A_477 : vector<1x2048xi1> to vector<1x2048xi32>
    %convert_element_type3A_479 = arith.sitofp %convert_element_type3A_478 : vector<1x2048xi32> to vector<1x2048xf32>
    %add3A_480 = arith.addf %add3A_471, %convert_element_type3A_479 : vector<1x2048xf32>
    %gt3A_481 = arith.cmpf ogt, %select_n3A_164, %select_n3A_161 : vector<1x2048xf32>
    %eq3A_482 = arith.cmpf oeq, %select_n3A_164, %select_n3A_161 : vector<1x2048xf32>
    %and3A_483 = arith.constant false
    %and3A_484 = vector.broadcast %and3A_483 : i1 to vector<1x2048xi1>
    %and3A_485 = arith.andi %eq3A_482, %and3A_484 : vector<1x2048xi1>
    %or3A_486 = arith.ori %gt3A_481, %and3A_485 : vector<1x2048xi1>
    %convert_element_type3A_487 = arith.extui %or3A_486 : vector<1x2048xi1> to vector<1x2048xi32>
    %convert_element_type3A_488 = arith.sitofp %convert_element_type3A_487 : vector<1x2048xi32> to vector<1x2048xf32>
    %add3A_489 = arith.addf %add3A_480, %convert_element_type3A_488 : vector<1x2048xf32>
    %gt3A_490 = arith.cmpf ogt, %select_n3A_167, %select_n3A_161 : vector<1x2048xf32>
    %eq3A_491 = arith.cmpf oeq, %select_n3A_167, %select_n3A_161 : vector<1x2048xf32>
    %and3A_492 = arith.constant false
    %and3A_493 = vector.broadcast %and3A_492 : i1 to vector<1x2048xi1>
    %and3A_494 = arith.andi %eq3A_491, %and3A_493 : vector<1x2048xi1>
    %or3A_495 = arith.ori %gt3A_490, %and3A_494 : vector<1x2048xi1>
    %convert_element_type3A_496 = arith.extui %or3A_495 : vector<1x2048xi1> to vector<1x2048xi32>
    %convert_element_type3A_497 = arith.sitofp %convert_element_type3A_496 : vector<1x2048xi32> to vector<1x2048xf32>
    %add3A_498 = arith.addf %add3A_489, %convert_element_type3A_497 : vector<1x2048xf32>
    %gt3A_499 = arith.cmpf ogt, %select_n3A_170, %select_n3A_161 : vector<1x2048xf32>
    %eq3A_500 = arith.cmpf oeq, %select_n3A_170, %select_n3A_161 : vector<1x2048xf32>
    %and3A_501 = arith.constant false
    %and3A_502 = vector.broadcast %and3A_501 : i1 to vector<1x2048xi1>
    %and3A_503 = arith.andi %eq3A_500, %and3A_502 : vector<1x2048xi1>
    %or3A_504 = arith.ori %gt3A_499, %and3A_503 : vector<1x2048xi1>
    %convert_element_type3A_505 = arith.extui %or3A_504 : vector<1x2048xi1> to vector<1x2048xi32>
    %convert_element_type3A_506 = arith.sitofp %convert_element_type3A_505 : vector<1x2048xi32> to vector<1x2048xf32>
    %add3A_507 = arith.addf %add3A_498, %convert_element_type3A_506 : vector<1x2048xf32>
    %lt3A_508 = arith.constant 2.000000e+00 : f32
    %lt3A_509 = vector.broadcast %lt3A_508 : f32 to vector<1x2048xf32>
    %lt3A_510 = arith.cmpf olt, %add3A_507, %lt3A_509 : vector<1x2048xf32>
    %broadcast_in_dim3A_511 = arith.constant 0.000000e+00 : f32
    %broadcast_in_dim3A_512 = vector.broadcast %broadcast_in_dim3A_511 : f32 to vector<1x2048xf32>
    %gt3A_513 = arith.cmpf ogt, %select_n3A, %select_n3A_164 : vector<1x2048xf32>
    %eq3A_514 = arith.cmpf oeq, %select_n3A, %select_n3A_164 : vector<1x2048xf32>
    %and3A_515 = arith.constant true
    %and3A_516 = vector.broadcast %and3A_515 : i1 to vector<1x2048xi1>
    %and3A_517 = arith.andi %eq3A_514, %and3A_516 : vector<1x2048xi1>
    %or3A_518 = arith.ori %gt3A_513, %and3A_517 : vector<1x2048xi1>
    %convert_element_type3A_519 = arith.extui %or3A_518 : vector<1x2048xi1> to vector<1x2048xi32>
    %convert_element_type3A_520 = arith.sitofp %convert_element_type3A_519 : vector<1x2048xi32> to vector<1x2048xf32>
    %add3A_521 = arith.addf %broadcast_in_dim3A_512, %convert_element_type3A_520 : vector<1x2048xf32>
    %gt3A_522 = arith.cmpf ogt, %select_n3A_152, %select_n3A_164 : vector<1x2048xf32>
    %eq3A_523 = arith.cmpf oeq, %select_n3A_152, %select_n3A_164 : vector<1x2048xf32>
    %and3A_524 = arith.constant true
    %and3A_525 = vector.broadcast %and3A_524 : i1 to vector<1x2048xi1>
    %and3A_526 = arith.andi %eq3A_523, %and3A_525 : vector<1x2048xi1>
    %or3A_527 = arith.ori %gt3A_522, %and3A_526 : vector<1x2048xi1>
    %convert_element_type3A_528 = arith.extui %or3A_527 : vector<1x2048xi1> to vector<1x2048xi32>
    %convert_element_type3A_529 = arith.sitofp %convert_element_type3A_528 : vector<1x2048xi32> to vector<1x2048xf32>
    %add3A_530 = arith.addf %add3A_521, %convert_element_type3A_529 : vector<1x2048xf32>
    %gt3A_531 = arith.cmpf ogt, %select_n3A_155, %select_n3A_164 : vector<1x2048xf32>
    %eq3A_532 = arith.cmpf oeq, %select_n3A_155, %select_n3A_164 : vector<1x2048xf32>
    %and3A_533 = arith.constant true
    %and3A_534 = vector.broadcast %and3A_533 : i1 to vector<1x2048xi1>
    %and3A_535 = arith.andi %eq3A_532, %and3A_534 : vector<1x2048xi1>
    %or3A_536 = arith.ori %gt3A_531, %and3A_535 : vector<1x2048xi1>
    %convert_element_type3A_537 = arith.extui %or3A_536 : vector<1x2048xi1> to vector<1x2048xi32>
    %convert_element_type3A_538 = arith.sitofp %convert_element_type3A_537 : vector<1x2048xi32> to vector<1x2048xf32>
    %add3A_539 = arith.addf %add3A_530, %convert_element_type3A_538 : vector<1x2048xf32>
    %gt3A_540 = arith.cmpf ogt, %select_n3A_158, %select_n3A_164 : vector<1x2048xf32>
    %eq3A_541 = arith.cmpf oeq, %select_n3A_158, %select_n3A_164 : vector<1x2048xf32>
    %and3A_542 = arith.constant true
    %and3A_543 = vector.broadcast %and3A_542 : i1 to vector<1x2048xi1>
    %and3A_544 = arith.andi %eq3A_541, %and3A_543 : vector<1x2048xi1>
    %or3A_545 = arith.ori %gt3A_540, %and3A_544 : vector<1x2048xi1>
    %convert_element_type3A_546 = arith.extui %or3A_545 : vector<1x2048xi1> to vector<1x2048xi32>
    %convert_element_type3A_547 = arith.sitofp %convert_element_type3A_546 : vector<1x2048xi32> to vector<1x2048xf32>
    %add3A_548 = arith.addf %add3A_539, %convert_element_type3A_547 : vector<1x2048xf32>
    %gt3A_549 = arith.cmpf ogt, %select_n3A_161, %select_n3A_164 : vector<1x2048xf32>
    %eq3A_550 = arith.cmpf oeq, %select_n3A_161, %select_n3A_164 : vector<1x2048xf32>
    %and3A_551 = arith.constant true
    %and3A_552 = vector.broadcast %and3A_551 : i1 to vector<1x2048xi1>
    %and3A_553 = arith.andi %eq3A_550, %and3A_552 : vector<1x2048xi1>
    %or3A_554 = arith.ori %gt3A_549, %and3A_553 : vector<1x2048xi1>
    %convert_element_type3A_555 = arith.extui %or3A_554 : vector<1x2048xi1> to vector<1x2048xi32>
    %convert_element_type3A_556 = arith.sitofp %convert_element_type3A_555 : vector<1x2048xi32> to vector<1x2048xf32>
    %add3A_557 = arith.addf %add3A_548, %convert_element_type3A_556 : vector<1x2048xf32>
    %gt3A_558 = arith.cmpf ogt, %select_n3A_167, %select_n3A_164 : vector<1x2048xf32>
    %eq3A_559 = arith.cmpf oeq, %select_n3A_167, %select_n3A_164 : vector<1x2048xf32>
    %and3A_560 = arith.constant false
    %and3A_561 = vector.broadcast %and3A_560 : i1 to vector<1x2048xi1>
    %and3A_562 = arith.andi %eq3A_559, %and3A_561 : vector<1x2048xi1>
    %or3A_563 = arith.ori %gt3A_558, %and3A_562 : vector<1x2048xi1>
    %convert_element_type3A_564 = arith.extui %or3A_563 : vector<1x2048xi1> to vector<1x2048xi32>
    %convert_element_type3A_565 = arith.sitofp %convert_element_type3A_564 : vector<1x2048xi32> to vector<1x2048xf32>
    %add3A_566 = arith.addf %add3A_557, %convert_element_type3A_565 : vector<1x2048xf32>
    %gt3A_567 = arith.cmpf ogt, %select_n3A_170, %select_n3A_164 : vector<1x2048xf32>
    %eq3A_568 = arith.cmpf oeq, %select_n3A_170, %select_n3A_164 : vector<1x2048xf32>
    %and3A_569 = arith.constant false
    %and3A_570 = vector.broadcast %and3A_569 : i1 to vector<1x2048xi1>
    %and3A_571 = arith.andi %eq3A_568, %and3A_570 : vector<1x2048xi1>
    %or3A_572 = arith.ori %gt3A_567, %and3A_571 : vector<1x2048xi1>
    %convert_element_type3A_573 = arith.extui %or3A_572 : vector<1x2048xi1> to vector<1x2048xi32>
    %convert_element_type3A_574 = arith.sitofp %convert_element_type3A_573 : vector<1x2048xi32> to vector<1x2048xf32>
    %add3A_575 = arith.addf %add3A_566, %convert_element_type3A_574 : vector<1x2048xf32>
    %lt3A_576 = arith.constant 2.000000e+00 : f32
    %lt3A_577 = vector.broadcast %lt3A_576 : f32 to vector<1x2048xf32>
    %lt3A_578 = arith.cmpf olt, %add3A_575, %lt3A_577 : vector<1x2048xf32>
    %broadcast_in_dim3A_579 = arith.constant 0.000000e+00 : f32
    %broadcast_in_dim3A_580 = vector.broadcast %broadcast_in_dim3A_579 : f32 to vector<1x2048xf32>
    %gt3A_581 = arith.cmpf ogt, %select_n3A, %select_n3A_167 : vector<1x2048xf32>
    %eq3A_582 = arith.cmpf oeq, %select_n3A, %select_n3A_167 : vector<1x2048xf32>
    %and3A_583 = arith.constant true
    %and3A_584 = vector.broadcast %and3A_583 : i1 to vector<1x2048xi1>
    %and3A_585 = arith.andi %eq3A_582, %and3A_584 : vector<1x2048xi1>
    %or3A_586 = arith.ori %gt3A_581, %and3A_585 : vector<1x2048xi1>
    %convert_element_type3A_587 = arith.extui %or3A_586 : vector<1x2048xi1> to vector<1x2048xi32>
    %convert_element_type3A_588 = arith.sitofp %convert_element_type3A_587 : vector<1x2048xi32> to vector<1x2048xf32>
    %add3A_589 = arith.addf %broadcast_in_dim3A_580, %convert_element_type3A_588 : vector<1x2048xf32>
    %gt3A_590 = arith.cmpf ogt, %select_n3A_152, %select_n3A_167 : vector<1x2048xf32>
    %eq3A_591 = arith.cmpf oeq, %select_n3A_152, %select_n3A_167 : vector<1x2048xf32>
    %and3A_592 = arith.constant true
    %and3A_593 = vector.broadcast %and3A_592 : i1 to vector<1x2048xi1>
    %and3A_594 = arith.andi %eq3A_591, %and3A_593 : vector<1x2048xi1>
    %or3A_595 = arith.ori %gt3A_590, %and3A_594 : vector<1x2048xi1>
    %convert_element_type3A_596 = arith.extui %or3A_595 : vector<1x2048xi1> to vector<1x2048xi32>
    %convert_element_type3A_597 = arith.sitofp %convert_element_type3A_596 : vector<1x2048xi32> to vector<1x2048xf32>
    %add3A_598 = arith.addf %add3A_589, %convert_element_type3A_597 : vector<1x2048xf32>
    %gt3A_599 = arith.cmpf ogt, %select_n3A_155, %select_n3A_167 : vector<1x2048xf32>
    %eq3A_600 = arith.cmpf oeq, %select_n3A_155, %select_n3A_167 : vector<1x2048xf32>
    %and3A_601 = arith.constant true
    %and3A_602 = vector.broadcast %and3A_601 : i1 to vector<1x2048xi1>
    %and3A_603 = arith.andi %eq3A_600, %and3A_602 : vector<1x2048xi1>
    %or3A_604 = arith.ori %gt3A_599, %and3A_603 : vector<1x2048xi1>
    %convert_element_type3A_605 = arith.extui %or3A_604 : vector<1x2048xi1> to vector<1x2048xi32>
    %convert_element_type3A_606 = arith.sitofp %convert_element_type3A_605 : vector<1x2048xi32> to vector<1x2048xf32>
    %add3A_607 = arith.addf %add3A_598, %convert_element_type3A_606 : vector<1x2048xf32>
    %gt3A_608 = arith.cmpf ogt, %select_n3A_158, %select_n3A_167 : vector<1x2048xf32>
    %eq3A_609 = arith.cmpf oeq, %select_n3A_158, %select_n3A_167 : vector<1x2048xf32>
    %and3A_610 = arith.constant true
    %and3A_611 = vector.broadcast %and3A_610 : i1 to vector<1x2048xi1>
    %and3A_612 = arith.andi %eq3A_609, %and3A_611 : vector<1x2048xi1>
    %or3A_613 = arith.ori %gt3A_608, %and3A_612 : vector<1x2048xi1>
    %convert_element_type3A_614 = arith.extui %or3A_613 : vector<1x2048xi1> to vector<1x2048xi32>
    %convert_element_type3A_615 = arith.sitofp %convert_element_type3A_614 : vector<1x2048xi32> to vector<1x2048xf32>
    %add3A_616 = arith.addf %add3A_607, %convert_element_type3A_615 : vector<1x2048xf32>
    %gt3A_617 = arith.cmpf ogt, %select_n3A_161, %select_n3A_167 : vector<1x2048xf32>
    %eq3A_618 = arith.cmpf oeq, %select_n3A_161, %select_n3A_167 : vector<1x2048xf32>
    %and3A_619 = arith.constant true
    %and3A_620 = vector.broadcast %and3A_619 : i1 to vector<1x2048xi1>
    %and3A_621 = arith.andi %eq3A_618, %and3A_620 : vector<1x2048xi1>
    %or3A_622 = arith.ori %gt3A_617, %and3A_621 : vector<1x2048xi1>
    %convert_element_type3A_623 = arith.extui %or3A_622 : vector<1x2048xi1> to vector<1x2048xi32>
    %convert_element_type3A_624 = arith.sitofp %convert_element_type3A_623 : vector<1x2048xi32> to vector<1x2048xf32>
    %add3A_625 = arith.addf %add3A_616, %convert_element_type3A_624 : vector<1x2048xf32>
    %gt3A_626 = arith.cmpf ogt, %select_n3A_164, %select_n3A_167 : vector<1x2048xf32>
    %eq3A_627 = arith.cmpf oeq, %select_n3A_164, %select_n3A_167 : vector<1x2048xf32>
    %and3A_628 = arith.constant true
    %and3A_629 = vector.broadcast %and3A_628 : i1 to vector<1x2048xi1>
    %and3A_630 = arith.andi %eq3A_627, %and3A_629 : vector<1x2048xi1>
    %or3A_631 = arith.ori %gt3A_626, %and3A_630 : vector<1x2048xi1>
    %convert_element_type3A_632 = arith.extui %or3A_631 : vector<1x2048xi1> to vector<1x2048xi32>
    %convert_element_type3A_633 = arith.sitofp %convert_element_type3A_632 : vector<1x2048xi32> to vector<1x2048xf32>
    %add3A_634 = arith.addf %add3A_625, %convert_element_type3A_633 : vector<1x2048xf32>
    %gt3A_635 = arith.cmpf ogt, %select_n3A_170, %select_n3A_167 : vector<1x2048xf32>
    %eq3A_636 = arith.cmpf oeq, %select_n3A_170, %select_n3A_167 : vector<1x2048xf32>
    %and3A_637 = arith.constant false
    %and3A_638 = vector.broadcast %and3A_637 : i1 to vector<1x2048xi1>
    %and3A_639 = arith.andi %eq3A_636, %and3A_638 : vector<1x2048xi1>
    %or3A_640 = arith.ori %gt3A_635, %and3A_639 : vector<1x2048xi1>
    %convert_element_type3A_641 = arith.extui %or3A_640 : vector<1x2048xi1> to vector<1x2048xi32>
    %convert_element_type3A_642 = arith.sitofp %convert_element_type3A_641 : vector<1x2048xi32> to vector<1x2048xf32>
    %add3A_643 = arith.addf %add3A_634, %convert_element_type3A_642 : vector<1x2048xf32>
    %lt3A_644 = arith.constant 2.000000e+00 : f32
    %lt3A_645 = vector.broadcast %lt3A_644 : f32 to vector<1x2048xf32>
    %lt3A_646 = arith.cmpf olt, %add3A_643, %lt3A_645 : vector<1x2048xf32>
    %broadcast_in_dim3A_647 = arith.constant 0.000000e+00 : f32
    %broadcast_in_dim3A_648 = vector.broadcast %broadcast_in_dim3A_647 : f32 to vector<1x2048xf32>
    %gt3A_649 = arith.cmpf ogt, %select_n3A, %select_n3A_170 : vector<1x2048xf32>
    %eq3A_650 = arith.cmpf oeq, %select_n3A, %select_n3A_170 : vector<1x2048xf32>
    %and3A_651 = arith.constant true
    %and3A_652 = vector.broadcast %and3A_651 : i1 to vector<1x2048xi1>
    %and3A_653 = arith.andi %eq3A_650, %and3A_652 : vector<1x2048xi1>
    %or3A_654 = arith.ori %gt3A_649, %and3A_653 : vector<1x2048xi1>
    %convert_element_type3A_655 = arith.extui %or3A_654 : vector<1x2048xi1> to vector<1x2048xi32>
    %convert_element_type3A_656 = arith.sitofp %convert_element_type3A_655 : vector<1x2048xi32> to vector<1x2048xf32>
    %add3A_657 = arith.addf %broadcast_in_dim3A_648, %convert_element_type3A_656 : vector<1x2048xf32>
    %gt3A_658 = arith.cmpf ogt, %select_n3A_152, %select_n3A_170 : vector<1x2048xf32>
    %eq3A_659 = arith.cmpf oeq, %select_n3A_152, %select_n3A_170 : vector<1x2048xf32>
    %and3A_660 = arith.constant true
    %and3A_661 = vector.broadcast %and3A_660 : i1 to vector<1x2048xi1>
    %and3A_662 = arith.andi %eq3A_659, %and3A_661 : vector<1x2048xi1>
    %or3A_663 = arith.ori %gt3A_658, %and3A_662 : vector<1x2048xi1>
    %convert_element_type3A_664 = arith.extui %or3A_663 : vector<1x2048xi1> to vector<1x2048xi32>
    %convert_element_type3A_665 = arith.sitofp %convert_element_type3A_664 : vector<1x2048xi32> to vector<1x2048xf32>
    %add3A_666 = arith.addf %add3A_657, %convert_element_type3A_665 : vector<1x2048xf32>
    %gt3A_667 = arith.cmpf ogt, %select_n3A_155, %select_n3A_170 : vector<1x2048xf32>
    %eq3A_668 = arith.cmpf oeq, %select_n3A_155, %select_n3A_170 : vector<1x2048xf32>
    %and3A_669 = arith.constant true
    %and3A_670 = vector.broadcast %and3A_669 : i1 to vector<1x2048xi1>
    %and3A_671 = arith.andi %eq3A_668, %and3A_670 : vector<1x2048xi1>
    %or3A_672 = arith.ori %gt3A_667, %and3A_671 : vector<1x2048xi1>
    %convert_element_type3A_673 = arith.extui %or3A_672 : vector<1x2048xi1> to vector<1x2048xi32>
    %convert_element_type3A_674 = arith.sitofp %convert_element_type3A_673 : vector<1x2048xi32> to vector<1x2048xf32>
    %add3A_675 = arith.addf %add3A_666, %convert_element_type3A_674 : vector<1x2048xf32>
    %gt3A_676 = arith.cmpf ogt, %select_n3A_158, %select_n3A_170 : vector<1x2048xf32>
    %eq3A_677 = arith.cmpf oeq, %select_n3A_158, %select_n3A_170 : vector<1x2048xf32>
    %and3A_678 = arith.constant true
    %and3A_679 = vector.broadcast %and3A_678 : i1 to vector<1x2048xi1>
    %and3A_680 = arith.andi %eq3A_677, %and3A_679 : vector<1x2048xi1>
    %or3A_681 = arith.ori %gt3A_676, %and3A_680 : vector<1x2048xi1>
    %convert_element_type3A_682 = arith.extui %or3A_681 : vector<1x2048xi1> to vector<1x2048xi32>
    %convert_element_type3A_683 = arith.sitofp %convert_element_type3A_682 : vector<1x2048xi32> to vector<1x2048xf32>
    %add3A_684 = arith.addf %add3A_675, %convert_element_type3A_683 : vector<1x2048xf32>
    %gt3A_685 = arith.cmpf ogt, %select_n3A_161, %select_n3A_170 : vector<1x2048xf32>
    %eq3A_686 = arith.cmpf oeq, %select_n3A_161, %select_n3A_170 : vector<1x2048xf32>
    %and3A_687 = arith.constant true
    %and3A_688 = vector.broadcast %and3A_687 : i1 to vector<1x2048xi1>
    %and3A_689 = arith.andi %eq3A_686, %and3A_688 : vector<1x2048xi1>
    %or3A_690 = arith.ori %gt3A_685, %and3A_689 : vector<1x2048xi1>
    %convert_element_type3A_691 = arith.extui %or3A_690 : vector<1x2048xi1> to vector<1x2048xi32>
    %convert_element_type3A_692 = arith.sitofp %convert_element_type3A_691 : vector<1x2048xi32> to vector<1x2048xf32>
    %add3A_693 = arith.addf %add3A_684, %convert_element_type3A_692 : vector<1x2048xf32>
    %gt3A_694 = arith.cmpf ogt, %select_n3A_164, %select_n3A_170 : vector<1x2048xf32>
    %eq3A_695 = arith.cmpf oeq, %select_n3A_164, %select_n3A_170 : vector<1x2048xf32>
    %and3A_696 = arith.constant true
    %and3A_697 = vector.broadcast %and3A_696 : i1 to vector<1x2048xi1>
    %and3A_698 = arith.andi %eq3A_695, %and3A_697 : vector<1x2048xi1>
    %or3A_699 = arith.ori %gt3A_694, %and3A_698 : vector<1x2048xi1>
    %convert_element_type3A_700 = arith.extui %or3A_699 : vector<1x2048xi1> to vector<1x2048xi32>
    %convert_element_type3A_701 = arith.sitofp %convert_element_type3A_700 : vector<1x2048xi32> to vector<1x2048xf32>
    %add3A_702 = arith.addf %add3A_693, %convert_element_type3A_701 : vector<1x2048xf32>
    %gt3A_703 = arith.cmpf ogt, %select_n3A_167, %select_n3A_170 : vector<1x2048xf32>
    %eq3A_704 = arith.cmpf oeq, %select_n3A_167, %select_n3A_170 : vector<1x2048xf32>
    %and3A_705 = arith.constant true
    %and3A_706 = vector.broadcast %and3A_705 : i1 to vector<1x2048xi1>
    %and3A_707 = arith.andi %eq3A_704, %and3A_706 : vector<1x2048xi1>
    %or3A_708 = arith.ori %gt3A_703, %and3A_707 : vector<1x2048xi1>
    %convert_element_type3A_709 = arith.extui %or3A_708 : vector<1x2048xi1> to vector<1x2048xi32>
    %convert_element_type3A_710 = arith.sitofp %convert_element_type3A_709 : vector<1x2048xi32> to vector<1x2048xf32>
    %add3A_711 = arith.addf %add3A_702, %convert_element_type3A_710 : vector<1x2048xf32>
    %lt3A_712 = arith.constant 2.000000e+00 : f32
    %lt3A_713 = vector.broadcast %lt3A_712 : f32 to vector<1x2048xf32>
    %lt3A_714 = arith.cmpf olt, %add3A_711, %lt3A_713 : vector<1x2048xf32>
    %jit3A_715 = arith.constant 0.000000e+00 : f32
    %broadcast_in_dim3A_716 = vector.broadcast %jit3A_715 : f32 to vector<1x2048xf32>
    %select_n3A_717 = arith.select %lt3A_238, %slice3A_16, %broadcast_in_dim3A_716 : vector<1x2048xi1>, vector<1x2048xf32>
    %jit3A_718 = arith.constant 0.000000e+00 : f32
    %broadcast_in_dim3A_719 = vector.broadcast %jit3A_718 : f32 to vector<1x2048xf32>
    %select_n3A_720 = arith.select %lt3A_306, %slice3A_17, %broadcast_in_dim3A_719 : vector<1x2048xi1>, vector<1x2048xf32>
    %jit3A_721 = arith.constant 0.000000e+00 : f32
    %broadcast_in_dim3A_722 = vector.broadcast %jit3A_721 : f32 to vector<1x2048xf32>
    %select_n3A_723 = arith.select %lt3A_374, %slice3A_18, %broadcast_in_dim3A_722 : vector<1x2048xi1>, vector<1x2048xf32>
    %jit3A_724 = arith.constant 0.000000e+00 : f32
    %broadcast_in_dim3A_725 = vector.broadcast %jit3A_724 : f32 to vector<1x2048xf32>
    %select_n3A_726 = arith.select %lt3A_442, %slice3A_19, %broadcast_in_dim3A_725 : vector<1x2048xi1>, vector<1x2048xf32>
    %jit3A_727 = arith.constant 0.000000e+00 : f32
    %broadcast_in_dim3A_728 = vector.broadcast %jit3A_727 : f32 to vector<1x2048xf32>
    %select_n3A_729 = arith.select %lt3A_510, %slice3A_20, %broadcast_in_dim3A_728 : vector<1x2048xi1>, vector<1x2048xf32>
    %jit3A_730 = arith.constant 0.000000e+00 : f32
    %broadcast_in_dim3A_731 = vector.broadcast %jit3A_730 : f32 to vector<1x2048xf32>
    %select_n3A_732 = arith.select %lt3A_578, %slice3A_21, %broadcast_in_dim3A_731 : vector<1x2048xi1>, vector<1x2048xf32>
    %jit3A_733 = arith.constant 0.000000e+00 : f32
    %broadcast_in_dim3A_734 = vector.broadcast %jit3A_733 : f32 to vector<1x2048xf32>
    %select_n3A_735 = arith.select %lt3A_646, %slice3A_22, %broadcast_in_dim3A_734 : vector<1x2048xi1>, vector<1x2048xf32>
    %jit3A_736 = arith.constant 0.000000e+00 : f32
    %broadcast_in_dim3A_737 = vector.broadcast %jit3A_736 : f32 to vector<1x2048xf32>
    %select_n3A_738 = arith.select %lt3A_714, %slice3A_23, %broadcast_in_dim3A_737 : vector<1x2048xi1>, vector<1x2048xf32>
    %add3A_739 = arith.addf %select_n3A_717, %select_n3A_720 : vector<1x2048xf32>
    %add3A_740 = arith.addf %add3A_739, %select_n3A_723 : vector<1x2048xf32>
    %add3A_741 = arith.addf %add3A_740, %select_n3A_726 : vector<1x2048xf32>
    %add3A_742 = arith.addf %add3A_741, %select_n3A_729 : vector<1x2048xf32>
    %add3A_743 = arith.addf %add3A_742, %select_n3A_732 : vector<1x2048xf32>
    %add3A_744 = arith.addf %add3A_743, %select_n3A_735 : vector<1x2048xf32>
    %add3A_745 = arith.addf %add3A_744, %select_n3A_738 : vector<1x2048xf32>
    %add3A_746 = arith.constant 9.99999968E-21 : f32
    %add3A_747 = vector.broadcast %add3A_746 : f32 to vector<1x2048xf32>
    %add3A_748 = arith.addf %add3A_745, %add3A_747 : vector<1x2048xf32>
    %div3A = arith.constant 1.000000e+00 : f32
    %div3A_749 = vector.broadcast %div3A : f32 to vector<1x2048xf32>
    %div3A_750 = arith.divf %div3A_749, %add3A_748 : vector<1x2048xf32>
    %mul3A = arith.mulf %select_n3A_717, %div3A_750 : vector<1x2048xf32>
    %mul3A_751 = arith.mulf %select_n3A_720, %div3A_750 : vector<1x2048xf32>
    %mul3A_752 = arith.mulf %select_n3A_723, %div3A_750 : vector<1x2048xf32>
    %mul3A_753 = arith.mulf %select_n3A_726, %div3A_750 : vector<1x2048xf32>
    %mul3A_754 = arith.mulf %select_n3A_729, %div3A_750 : vector<1x2048xf32>
    %mul3A_755 = arith.mulf %select_n3A_732, %div3A_750 : vector<1x2048xf32>
    %mul3A_756 = arith.mulf %select_n3A_735, %div3A_750 : vector<1x2048xf32>
    %mul3A_757 = arith.mulf %select_n3A_738, %div3A_750 : vector<1x2048xf32>
    %convert_element_type3A_758 = arith.extui %lt3A_238 : vector<1x2048xi1> to vector<1x2048xi32>
    %convert_element_type3A_759 = arith.sitofp %convert_element_type3A_758 : vector<1x2048xi32> to vector<1x2048xf32>
    %convert_element_type3A_760 = arith.extui %lt3A_306 : vector<1x2048xi1> to vector<1x2048xi32>
    %convert_element_type3A_761 = arith.sitofp %convert_element_type3A_760 : vector<1x2048xi32> to vector<1x2048xf32>
    %convert_element_type3A_762 = arith.extui %lt3A_374 : vector<1x2048xi1> to vector<1x2048xi32>
    %convert_element_type3A_763 = arith.sitofp %convert_element_type3A_762 : vector<1x2048xi32> to vector<1x2048xf32>
    %convert_element_type3A_764 = arith.extui %lt3A_442 : vector<1x2048xi1> to vector<1x2048xi32>
    %convert_element_type3A_765 = arith.sitofp %convert_element_type3A_764 : vector<1x2048xi32> to vector<1x2048xf32>
    %convert_element_type3A_766 = arith.extui %lt3A_510 : vector<1x2048xi1> to vector<1x2048xi32>
    %convert_element_type3A_767 = arith.sitofp %convert_element_type3A_766 : vector<1x2048xi32> to vector<1x2048xf32>
    %convert_element_type3A_768 = arith.extui %lt3A_578 : vector<1x2048xi1> to vector<1x2048xi32>
    %convert_element_type3A_769 = arith.sitofp %convert_element_type3A_768 : vector<1x2048xi32> to vector<1x2048xf32>
    %convert_element_type3A_770 = arith.extui %lt3A_646 : vector<1x2048xi1> to vector<1x2048xi32>
    %convert_element_type3A_771 = arith.sitofp %convert_element_type3A_770 : vector<1x2048xi32> to vector<1x2048xf32>
    %convert_element_type3A_772 = arith.extui %lt3A_714 : vector<1x2048xi1> to vector<1x2048xi32>
    %convert_element_type3A_773 = arith.sitofp %convert_element_type3A_772 : vector<1x2048xi32> to vector<1x2048xf32>
    %concatenate3A = tpu.concatenate %convert_element_type3A_759, %convert_element_type3A_761, %convert_element_type3A_763, %convert_element_type3A_765, %convert_element_type3A_767, %convert_element_type3A_769, %convert_element_type3A_771, %convert_element_type3A_773 in 0 : vector<1x2048xf32>, vector<1x2048xf32>, vector<1x2048xf32>, vector<1x2048xf32>, vector<1x2048xf32>, vector<1x2048xf32>, vector<1x2048xf32>, vector<1x2048xf32> -> vector<8x2048xf32>
    %iota3A = tpu.iota {dimensions = array<i32: 0>} : vector<256x256xi32>
    %iota3A_774 = tpu.iota {dimensions = array<i32: 1>} : vector<256x256xi32>
    %lt3A_775 = arith.cmpi slt, %iota3A, %iota3A_774 : vector<256x256xi32>
    %convert_element_type3A_776 = arith.extui %lt3A_775 : vector<256x256xi1> to vector<256x256xi32>
    %convert_element_type3A_777 = arith.sitofp %convert_element_type3A_776 : vector<256x256xi32> to vector<256x256xf32>
    %broadcast_in_dim3A_778 = arith.constant 1.000000e+00 : f32
    %broadcast_in_dim3A_779 = vector.broadcast %broadcast_in_dim3A_778 : f32 to vector<256x1xf32>
    %broadcast_in_dim3A_780 = arith.constant 0.000000e+00 : f32
    %broadcast_in_dim3A_781 = vector.broadcast %broadcast_in_dim3A_780 : f32 to vector<8x1xf32>
    %slice3A_782 = vector.extract_strided_slice %concatenate3A {offsets = [0, 0], sizes = [8, 256], strides = [1, 1]} : vector<8x2048xf32> to vector<8x256xf32>
    %dot_general3A = arith.constant dense<0.000000e+00> : vector<8x256xf32>
    %dot_general3A_783 = tpu.matmul %slice3A_782, %convert_element_type3A_777, %dot_general3A {dimension_numbers = #tpu.dot_dimension_numbers<[1], [0], [0], [1], [0, 0, 1, 1], [], []>, transpose_lhs_hint = false} : vector<8x256xf32>, vector<256x256xf32>, vector<8x256xf32> -> vector<8x256xf32>
    %add3A_784 = vector.broadcast %broadcast_in_dim3A_781 : vector<8x1xf32> to vector<8x256xf32>
    %add3A_785 = arith.addf %dot_general3A_783, %add3A_784 : vector<8x256xf32>
    %dot_general3A_786 = arith.constant dense<0.000000e+00> : vector<8x1xf32>
    %dot_general3A_787 = tpu.matmul %slice3A_782, %broadcast_in_dim3A_779, %dot_general3A_786 {dimension_numbers = #tpu.dot_dimension_numbers<[1], [0], [0], [1], [0, 0, 1, 1], [], []>, transpose_lhs_hint = false} : vector<8x256xf32>, vector<256x1xf32>, vector<8x1xf32> -> vector<8x1xf32>
    %add3A_788 = arith.addf %broadcast_in_dim3A_781, %dot_general3A_787 : vector<8x1xf32>
    %slice3A_789 = vector.extract_strided_slice %concatenate3A {offsets = [0, 256], sizes = [8, 256], strides = [1, 1]} : vector<8x2048xf32> to vector<8x256xf32>
    %dot_general3A_790 = arith.constant dense<0.000000e+00> : vector<8x256xf32>
    %dot_general3A_791 = tpu.matmul %slice3A_789, %convert_element_type3A_777, %dot_general3A_790 {dimension_numbers = #tpu.dot_dimension_numbers<[1], [0], [0], [1], [0, 0, 1, 1], [], []>, transpose_lhs_hint = false} : vector<8x256xf32>, vector<256x256xf32>, vector<8x256xf32> -> vector<8x256xf32>
    %add3A_792 = vector.broadcast %add3A_788 : vector<8x1xf32> to vector<8x256xf32>
    %add3A_793 = arith.addf %dot_general3A_791, %add3A_792 : vector<8x256xf32>
    %dot_general3A_794 = arith.constant dense<0.000000e+00> : vector<8x1xf32>
    %dot_general3A_795 = tpu.matmul %slice3A_789, %broadcast_in_dim3A_779, %dot_general3A_794 {dimension_numbers = #tpu.dot_dimension_numbers<[1], [0], [0], [1], [0, 0, 1, 1], [], []>, transpose_lhs_hint = false} : vector<8x256xf32>, vector<256x1xf32>, vector<8x1xf32> -> vector<8x1xf32>
    %add3A_796 = arith.addf %add3A_788, %dot_general3A_795 : vector<8x1xf32>
    %slice3A_797 = vector.extract_strided_slice %concatenate3A {offsets = [0, 512], sizes = [8, 256], strides = [1, 1]} : vector<8x2048xf32> to vector<8x256xf32>
    %dot_general3A_798 = arith.constant dense<0.000000e+00> : vector<8x256xf32>
    %dot_general3A_799 = tpu.matmul %slice3A_797, %convert_element_type3A_777, %dot_general3A_798 {dimension_numbers = #tpu.dot_dimension_numbers<[1], [0], [0], [1], [0, 0, 1, 1], [], []>, transpose_lhs_hint = false} : vector<8x256xf32>, vector<256x256xf32>, vector<8x256xf32> -> vector<8x256xf32>
    %add3A_800 = vector.broadcast %add3A_796 : vector<8x1xf32> to vector<8x256xf32>
    %add3A_801 = arith.addf %dot_general3A_799, %add3A_800 : vector<8x256xf32>
    %dot_general3A_802 = arith.constant dense<0.000000e+00> : vector<8x1xf32>
    %dot_general3A_803 = tpu.matmul %slice3A_797, %broadcast_in_dim3A_779, %dot_general3A_802 {dimension_numbers = #tpu.dot_dimension_numbers<[1], [0], [0], [1], [0, 0, 1, 1], [], []>, transpose_lhs_hint = false} : vector<8x256xf32>, vector<256x1xf32>, vector<8x1xf32> -> vector<8x1xf32>
    %add3A_804 = arith.addf %add3A_796, %dot_general3A_803 : vector<8x1xf32>
    %slice3A_805 = vector.extract_strided_slice %concatenate3A {offsets = [0, 768], sizes = [8, 256], strides = [1, 1]} : vector<8x2048xf32> to vector<8x256xf32>
    %dot_general3A_806 = arith.constant dense<0.000000e+00> : vector<8x256xf32>
    %dot_general3A_807 = tpu.matmul %slice3A_805, %convert_element_type3A_777, %dot_general3A_806 {dimension_numbers = #tpu.dot_dimension_numbers<[1], [0], [0], [1], [0, 0, 1, 1], [], []>, transpose_lhs_hint = false} : vector<8x256xf32>, vector<256x256xf32>, vector<8x256xf32> -> vector<8x256xf32>
    %add3A_808 = vector.broadcast %add3A_804 : vector<8x1xf32> to vector<8x256xf32>
    %add3A_809 = arith.addf %dot_general3A_807, %add3A_808 : vector<8x256xf32>
    %dot_general3A_810 = arith.constant dense<0.000000e+00> : vector<8x1xf32>
    %dot_general3A_811 = tpu.matmul %slice3A_805, %broadcast_in_dim3A_779, %dot_general3A_810 {dimension_numbers = #tpu.dot_dimension_numbers<[1], [0], [0], [1], [0, 0, 1, 1], [], []>, transpose_lhs_hint = false} : vector<8x256xf32>, vector<256x1xf32>, vector<8x1xf32> -> vector<8x1xf32>
    %add3A_812 = arith.addf %add3A_804, %dot_general3A_811 : vector<8x1xf32>
    %slice3A_813 = vector.extract_strided_slice %concatenate3A {offsets = [0, 1024], sizes = [8, 256], strides = [1, 1]} : vector<8x2048xf32> to vector<8x256xf32>
    %dot_general3A_814 = arith.constant dense<0.000000e+00> : vector<8x256xf32>
    %dot_general3A_815 = tpu.matmul %slice3A_813, %convert_element_type3A_777, %dot_general3A_814 {dimension_numbers = #tpu.dot_dimension_numbers<[1], [0], [0], [1], [0, 0, 1, 1], [], []>, transpose_lhs_hint = false} : vector<8x256xf32>, vector<256x256xf32>, vector<8x256xf32> -> vector<8x256xf32>
    %add3A_816 = vector.broadcast %add3A_812 : vector<8x1xf32> to vector<8x256xf32>
    %add3A_817 = arith.addf %dot_general3A_815, %add3A_816 : vector<8x256xf32>
    %dot_general3A_818 = arith.constant dense<0.000000e+00> : vector<8x1xf32>
    %dot_general3A_819 = tpu.matmul %slice3A_813, %broadcast_in_dim3A_779, %dot_general3A_818 {dimension_numbers = #tpu.dot_dimension_numbers<[1], [0], [0], [1], [0, 0, 1, 1], [], []>, transpose_lhs_hint = false} : vector<8x256xf32>, vector<256x1xf32>, vector<8x1xf32> -> vector<8x1xf32>
    %add3A_820 = arith.addf %add3A_812, %dot_general3A_819 : vector<8x1xf32>
    %slice3A_821 = vector.extract_strided_slice %concatenate3A {offsets = [0, 1280], sizes = [8, 256], strides = [1, 1]} : vector<8x2048xf32> to vector<8x256xf32>
    %dot_general3A_822 = arith.constant dense<0.000000e+00> : vector<8x256xf32>
    %dot_general3A_823 = tpu.matmul %slice3A_821, %convert_element_type3A_777, %dot_general3A_822 {dimension_numbers = #tpu.dot_dimension_numbers<[1], [0], [0], [1], [0, 0, 1, 1], [], []>, transpose_lhs_hint = false} : vector<8x256xf32>, vector<256x256xf32>, vector<8x256xf32> -> vector<8x256xf32>
    %add3A_824 = vector.broadcast %add3A_820 : vector<8x1xf32> to vector<8x256xf32>
    %add3A_825 = arith.addf %dot_general3A_823, %add3A_824 : vector<8x256xf32>
    %dot_general3A_826 = arith.constant dense<0.000000e+00> : vector<8x1xf32>
    %dot_general3A_827 = tpu.matmul %slice3A_821, %broadcast_in_dim3A_779, %dot_general3A_826 {dimension_numbers = #tpu.dot_dimension_numbers<[1], [0], [0], [1], [0, 0, 1, 1], [], []>, transpose_lhs_hint = false} : vector<8x256xf32>, vector<256x1xf32>, vector<8x1xf32> -> vector<8x1xf32>
    %add3A_828 = arith.addf %add3A_820, %dot_general3A_827 : vector<8x1xf32>
    %slice3A_829 = vector.extract_strided_slice %concatenate3A {offsets = [0, 1536], sizes = [8, 256], strides = [1, 1]} : vector<8x2048xf32> to vector<8x256xf32>
    %dot_general3A_830 = arith.constant dense<0.000000e+00> : vector<8x256xf32>
    %dot_general3A_831 = tpu.matmul %slice3A_829, %convert_element_type3A_777, %dot_general3A_830 {dimension_numbers = #tpu.dot_dimension_numbers<[1], [0], [0], [1], [0, 0, 1, 1], [], []>, transpose_lhs_hint = false} : vector<8x256xf32>, vector<256x256xf32>, vector<8x256xf32> -> vector<8x256xf32>
    %add3A_832 = vector.broadcast %add3A_828 : vector<8x1xf32> to vector<8x256xf32>
    %add3A_833 = arith.addf %dot_general3A_831, %add3A_832 : vector<8x256xf32>
    %dot_general3A_834 = arith.constant dense<0.000000e+00> : vector<8x1xf32>
    %dot_general3A_835 = tpu.matmul %slice3A_829, %broadcast_in_dim3A_779, %dot_general3A_834 {dimension_numbers = #tpu.dot_dimension_numbers<[1], [0], [0], [1], [0, 0, 1, 1], [], []>, transpose_lhs_hint = false} : vector<8x256xf32>, vector<256x1xf32>, vector<8x1xf32> -> vector<8x1xf32>
    %add3A_836 = arith.addf %add3A_828, %dot_general3A_835 : vector<8x1xf32>
    %slice3A_837 = vector.extract_strided_slice %concatenate3A {offsets = [0, 1792], sizes = [8, 256], strides = [1, 1]} : vector<8x2048xf32> to vector<8x256xf32>
    %dot_general3A_838 = arith.constant dense<0.000000e+00> : vector<8x256xf32>
    %dot_general3A_839 = tpu.matmul %slice3A_837, %convert_element_type3A_777, %dot_general3A_838 {dimension_numbers = #tpu.dot_dimension_numbers<[1], [0], [0], [1], [0, 0, 1, 1], [], []>, transpose_lhs_hint = false} : vector<8x256xf32>, vector<256x256xf32>, vector<8x256xf32> -> vector<8x256xf32>
    %add3A_840 = vector.broadcast %add3A_836 : vector<8x1xf32> to vector<8x256xf32>
    %add3A_841 = arith.addf %dot_general3A_839, %add3A_840 : vector<8x256xf32>
    %dot_general3A_842 = arith.constant dense<0.000000e+00> : vector<8x1xf32>
    %dot_general3A_843 = tpu.matmul %slice3A_837, %broadcast_in_dim3A_779, %dot_general3A_842 {dimension_numbers = #tpu.dot_dimension_numbers<[1], [0], [0], [1], [0, 0, 1, 1], [], []>, transpose_lhs_hint = false} : vector<8x256xf32>, vector<256x1xf32>, vector<8x1xf32> -> vector<8x1xf32>
    %add3A_844 = arith.addf %add3A_836, %dot_general3A_843 : vector<8x1xf32>
    %concatenate3A_845 = tpu.concatenate %add3A_785, %add3A_793, %add3A_801, %add3A_809, %add3A_817, %add3A_825, %add3A_833, %add3A_841 in 1 : vector<8x256xf32>, vector<8x256xf32>, vector<8x256xf32>, vector<8x256xf32>, vector<8x256xf32>, vector<8x256xf32>, vector<8x256xf32>, vector<8x256xf32> -> vector<8x2048xf32>
    %convert_element_type3A_846 = arith.fptosi %add3A_844 : vector<8x1xf32> to vector<8x1xi32>
    %add3A_847 = arith.constant 512 : i32
    %add3A_848 = vector.broadcast %add3A_847 : i32 to vector<8x1xi32>
    %add3A_849 = arith.addi %convert_element_type3A_846, %add3A_848 : vector<8x1xi32>
    %sub3A = arith.constant 1 : i32
    %sub3A_850 = vector.broadcast %sub3A : i32 to vector<8x1xi32>
    %sub3A_851 = arith.subi %add3A_849, %sub3A_850 : vector<8x1xi32>
    %shift_right_arithmetic3A = arith.constant 9 : i32
    %shift_right_arithmetic3A_852 = vector.broadcast %shift_right_arithmetic3A : i32 to vector<8x1xi32>
    %shift_right_arithmetic3A_853 = arith.shrsi %sub3A_851, %shift_right_arithmetic3A_852 : vector<8x1xi32>
    %shift_left3A = arith.constant 9 : i32
    %shift_left3A_854 = vector.broadcast %shift_left3A : i32 to vector<8x1xi32>
    %shift_left3A_855 = arith.shli %shift_right_arithmetic3A_853, %shift_left3A_854 : vector<8x1xi32>
    %iota3A_856 = tpu.iota {dimensions = array<i32: 0>} : vector<8x8xi32>
    %iota3A_857 = tpu.iota {dimensions = array<i32: 1>} : vector<8x8xi32>
    %lt3A_858 = arith.cmpi slt, %iota3A_857, %iota3A_856 : vector<8x8xi32>
    %convert_element_type3A_859 = arith.extui %lt3A_858 : vector<8x8xi1> to vector<8x8xi32>
    %convert_element_type3A_860 = arith.sitofp %convert_element_type3A_859 : vector<8x8xi32> to vector<8x8xf32>
    %convert_element_type3A_861 = arith.sitofp %shift_left3A_855 : vector<8x1xi32> to vector<8x1xf32>
    %dot_general3A_862 = arith.constant dense<0.000000e+00> : vector<8x1xf32>
    %dot_general3A_863 = tpu.matmul %convert_element_type3A_860, %convert_element_type3A_861, %dot_general3A_862 {dimension_numbers = #tpu.dot_dimension_numbers<[1], [0], [0], [1], [0, 0, 1, 1], [], []>, transpose_lhs_hint = false} : vector<8x8xf32>, vector<8x1xf32>, vector<8x1xf32> -> vector<8x1xf32>
    %convert_element_type3A_864 = arith.fptosi %dot_general3A_863 : vector<8x1xf32> to vector<8x1xi32>
    %convert_element_type3A_865 = arith.fptosi %concatenate3A_845 : vector<8x2048xf32> to vector<8x2048xi32>
    %add3A_866 = vector.broadcast %convert_element_type3A_864 : vector<8x1xi32> to vector<8x2048xi32>
    %add3A_867 = arith.addi %add3A_866, %convert_element_type3A_865 : vector<8x2048xi32>
    %convert_element_type3A_868 = arith.sitofp %add3A_867 : vector<8x2048xi32> to vector<8x2048xf32>
    %broadcast_in_dim3A_869 = arith.constant 0.000000e+00 : f32
    %broadcast_in_dim3A_870 = vector.broadcast %broadcast_in_dim3A_869 : f32 to vector<1x2048xf32>
    %broadcast_in_dim3A_871 = arith.constant 0.000000e+00 : f32
    %broadcast_in_dim3A_872 = vector.broadcast %broadcast_in_dim3A_871 : f32 to vector<1x2048xf32>
    %broadcast_in_dim3A_873 = arith.constant 0.000000e+00 : f32
    %broadcast_in_dim3A_874 = vector.broadcast %broadcast_in_dim3A_873 : f32 to vector<1x2048xf32>
    %broadcast_in_dim3A_875 = arith.constant 0.000000e+00 : f32
    %broadcast_in_dim3A_876 = vector.broadcast %broadcast_in_dim3A_875 : f32 to vector<1x2048xf32>
    %broadcast_in_dim3A_877 = arith.constant 0.000000e+00 : f32
    %broadcast_in_dim3A_878 = vector.broadcast %broadcast_in_dim3A_877 : f32 to vector<1x2048xf32>
    %eq3A_879 = arith.constant 0.000000e+00 : f32
    %eq3A_880 = vector.broadcast %eq3A_879 : f32 to vector<1x2048xf32>
    %eq3A_881 = arith.cmpf oeq, %broadcast_in_dim3A_870, %eq3A_880 : vector<1x2048xf32>
    %convert_element_type3A_882 = arith.extui %eq3A_881 : vector<1x2048xi1> to vector<1x2048xi32>
    %convert_element_type3A_883 = arith.sitofp %convert_element_type3A_882 : vector<1x2048xi32> to vector<1x2048xf32>
    %mul3A_884 = arith.mulf %convert_element_type3A_759, %convert_element_type3A_883 : vector<1x2048xf32>
    %eq3A_885 = arith.constant 1.000000e+00 : f32
    %eq3A_886 = vector.broadcast %eq3A_885 : f32 to vector<1x2048xf32>
    %eq3A_887 = arith.cmpf oeq, %broadcast_in_dim3A_870, %eq3A_886 : vector<1x2048xf32>
    %convert_element_type3A_888 = arith.extui %eq3A_887 : vector<1x2048xi1> to vector<1x2048xi32>
    %convert_element_type3A_889 = arith.sitofp %convert_element_type3A_888 : vector<1x2048xi32> to vector<1x2048xf32>
    %mul3A_890 = arith.mulf %convert_element_type3A_759, %convert_element_type3A_889 : vector<1x2048xf32>
    %slice3A_891 = vector.extract_strided_slice %convert_element_type3A_868 {offsets = [0, 0], sizes = [1, 2048], strides = [1, 1]} : vector<8x2048xf32> to vector<1x2048xf32>
    %mul3A_892 = arith.mulf %mul3A_884, %slice3A_891 : vector<1x2048xf32>
    %add3A_893 = arith.addf %broadcast_in_dim3A_872, %mul3A_892 : vector<1x2048xf32>
    %mul3A_894 = arith.mulf %mul3A_890, %slice3A_891 : vector<1x2048xf32>
    %add3A_895 = arith.addf %broadcast_in_dim3A_874, %mul3A_894 : vector<1x2048xf32>
    %mul3A_896 = arith.mulf %mul3A_884, %mul3A : vector<1x2048xf32>
    %add3A_897 = arith.addf %broadcast_in_dim3A_876, %mul3A_896 : vector<1x2048xf32>
    %mul3A_898 = arith.mulf %mul3A_890, %mul3A : vector<1x2048xf32>
    %add3A_899 = arith.addf %broadcast_in_dim3A_878, %mul3A_898 : vector<1x2048xf32>
    %add3A_900 = arith.addf %broadcast_in_dim3A_870, %convert_element_type3A_759 : vector<1x2048xf32>
    %eq3A_901 = arith.constant 0.000000e+00 : f32
    %eq3A_902 = vector.broadcast %eq3A_901 : f32 to vector<1x2048xf32>
    %eq3A_903 = arith.cmpf oeq, %add3A_900, %eq3A_902 : vector<1x2048xf32>
    %convert_element_type3A_904 = arith.extui %eq3A_903 : vector<1x2048xi1> to vector<1x2048xi32>
    %convert_element_type3A_905 = arith.sitofp %convert_element_type3A_904 : vector<1x2048xi32> to vector<1x2048xf32>
    %mul3A_906 = arith.mulf %convert_element_type3A_761, %convert_element_type3A_905 : vector<1x2048xf32>
    %eq3A_907 = arith.constant 1.000000e+00 : f32
    %eq3A_908 = vector.broadcast %eq3A_907 : f32 to vector<1x2048xf32>
    %eq3A_909 = arith.cmpf oeq, %add3A_900, %eq3A_908 : vector<1x2048xf32>
    %convert_element_type3A_910 = arith.extui %eq3A_909 : vector<1x2048xi1> to vector<1x2048xi32>
    %convert_element_type3A_911 = arith.sitofp %convert_element_type3A_910 : vector<1x2048xi32> to vector<1x2048xf32>
    %mul3A_912 = arith.mulf %convert_element_type3A_761, %convert_element_type3A_911 : vector<1x2048xf32>
    %slice3A_913 = vector.extract_strided_slice %convert_element_type3A_868 {offsets = [1, 0], sizes = [1, 2048], strides = [1, 1]} : vector<8x2048xf32> to vector<1x2048xf32>
    %mul3A_914 = arith.mulf %mul3A_906, %slice3A_913 : vector<1x2048xf32>
    %add3A_915 = arith.addf %add3A_893, %mul3A_914 : vector<1x2048xf32>
    %mul3A_916 = arith.mulf %mul3A_912, %slice3A_913 : vector<1x2048xf32>
    %add3A_917 = arith.addf %add3A_895, %mul3A_916 : vector<1x2048xf32>
    %mul3A_918 = arith.mulf %mul3A_906, %mul3A_751 : vector<1x2048xf32>
    %add3A_919 = arith.addf %add3A_897, %mul3A_918 : vector<1x2048xf32>
    %mul3A_920 = arith.mulf %mul3A_912, %mul3A_751 : vector<1x2048xf32>
    %add3A_921 = arith.addf %add3A_899, %mul3A_920 : vector<1x2048xf32>
    %add3A_922 = arith.addf %add3A_900, %convert_element_type3A_761 : vector<1x2048xf32>
    %eq3A_923 = arith.constant 0.000000e+00 : f32
    %eq3A_924 = vector.broadcast %eq3A_923 : f32 to vector<1x2048xf32>
    %eq3A_925 = arith.cmpf oeq, %add3A_922, %eq3A_924 : vector<1x2048xf32>
    %convert_element_type3A_926 = arith.extui %eq3A_925 : vector<1x2048xi1> to vector<1x2048xi32>
    %convert_element_type3A_927 = arith.sitofp %convert_element_type3A_926 : vector<1x2048xi32> to vector<1x2048xf32>
    %mul3A_928 = arith.mulf %convert_element_type3A_763, %convert_element_type3A_927 : vector<1x2048xf32>
    %eq3A_929 = arith.constant 1.000000e+00 : f32
    %eq3A_930 = vector.broadcast %eq3A_929 : f32 to vector<1x2048xf32>
    %eq3A_931 = arith.cmpf oeq, %add3A_922, %eq3A_930 : vector<1x2048xf32>
    %convert_element_type3A_932 = arith.extui %eq3A_931 : vector<1x2048xi1> to vector<1x2048xi32>
    %convert_element_type3A_933 = arith.sitofp %convert_element_type3A_932 : vector<1x2048xi32> to vector<1x2048xf32>
    %mul3A_934 = arith.mulf %convert_element_type3A_763, %convert_element_type3A_933 : vector<1x2048xf32>
    %slice3A_935 = vector.extract_strided_slice %convert_element_type3A_868 {offsets = [2, 0], sizes = [1, 2048], strides = [1, 1]} : vector<8x2048xf32> to vector<1x2048xf32>
    %mul3A_936 = arith.mulf %mul3A_928, %slice3A_935 : vector<1x2048xf32>
    %add3A_937 = arith.addf %add3A_915, %mul3A_936 : vector<1x2048xf32>
    %mul3A_938 = arith.mulf %mul3A_934, %slice3A_935 : vector<1x2048xf32>
    %add3A_939 = arith.addf %add3A_917, %mul3A_938 : vector<1x2048xf32>
    %mul3A_940 = arith.mulf %mul3A_928, %mul3A_752 : vector<1x2048xf32>
    %add3A_941 = arith.addf %add3A_919, %mul3A_940 : vector<1x2048xf32>
    %mul3A_942 = arith.mulf %mul3A_934, %mul3A_752 : vector<1x2048xf32>
    %add3A_943 = arith.addf %add3A_921, %mul3A_942 : vector<1x2048xf32>
    %add3A_944 = arith.addf %add3A_922, %convert_element_type3A_763 : vector<1x2048xf32>
    %eq3A_945 = arith.constant 0.000000e+00 : f32
    %eq3A_946 = vector.broadcast %eq3A_945 : f32 to vector<1x2048xf32>
    %eq3A_947 = arith.cmpf oeq, %add3A_944, %eq3A_946 : vector<1x2048xf32>
    %convert_element_type3A_948 = arith.extui %eq3A_947 : vector<1x2048xi1> to vector<1x2048xi32>
    %convert_element_type3A_949 = arith.sitofp %convert_element_type3A_948 : vector<1x2048xi32> to vector<1x2048xf32>
    %mul3A_950 = arith.mulf %convert_element_type3A_765, %convert_element_type3A_949 : vector<1x2048xf32>
    %eq3A_951 = arith.constant 1.000000e+00 : f32
    %eq3A_952 = vector.broadcast %eq3A_951 : f32 to vector<1x2048xf32>
    %eq3A_953 = arith.cmpf oeq, %add3A_944, %eq3A_952 : vector<1x2048xf32>
    %convert_element_type3A_954 = arith.extui %eq3A_953 : vector<1x2048xi1> to vector<1x2048xi32>
    %convert_element_type3A_955 = arith.sitofp %convert_element_type3A_954 : vector<1x2048xi32> to vector<1x2048xf32>
    %mul3A_956 = arith.mulf %convert_element_type3A_765, %convert_element_type3A_955 : vector<1x2048xf32>
    %slice3A_957 = vector.extract_strided_slice %convert_element_type3A_868 {offsets = [3, 0], sizes = [1, 2048], strides = [1, 1]} : vector<8x2048xf32> to vector<1x2048xf32>
    %mul3A_958 = arith.mulf %mul3A_950, %slice3A_957 : vector<1x2048xf32>
    %add3A_959 = arith.addf %add3A_937, %mul3A_958 : vector<1x2048xf32>
    %mul3A_960 = arith.mulf %mul3A_956, %slice3A_957 : vector<1x2048xf32>
    %add3A_961 = arith.addf %add3A_939, %mul3A_960 : vector<1x2048xf32>
    %mul3A_962 = arith.mulf %mul3A_950, %mul3A_753 : vector<1x2048xf32>
    %add3A_963 = arith.addf %add3A_941, %mul3A_962 : vector<1x2048xf32>
    %mul3A_964 = arith.mulf %mul3A_956, %mul3A_753 : vector<1x2048xf32>
    %add3A_965 = arith.addf %add3A_943, %mul3A_964 : vector<1x2048xf32>
    %add3A_966 = arith.addf %add3A_944, %convert_element_type3A_765 : vector<1x2048xf32>
    %eq3A_967 = arith.constant 0.000000e+00 : f32
    %eq3A_968 = vector.broadcast %eq3A_967 : f32 to vector<1x2048xf32>
    %eq3A_969 = arith.cmpf oeq, %add3A_966, %eq3A_968 : vector<1x2048xf32>
    %convert_element_type3A_970 = arith.extui %eq3A_969 : vector<1x2048xi1> to vector<1x2048xi32>
    %convert_element_type3A_971 = arith.sitofp %convert_element_type3A_970 : vector<1x2048xi32> to vector<1x2048xf32>
    %mul3A_972 = arith.mulf %convert_element_type3A_767, %convert_element_type3A_971 : vector<1x2048xf32>
    %eq3A_973 = arith.constant 1.000000e+00 : f32
    %eq3A_974 = vector.broadcast %eq3A_973 : f32 to vector<1x2048xf32>
    %eq3A_975 = arith.cmpf oeq, %add3A_966, %eq3A_974 : vector<1x2048xf32>
    %convert_element_type3A_976 = arith.extui %eq3A_975 : vector<1x2048xi1> to vector<1x2048xi32>
    %convert_element_type3A_977 = arith.sitofp %convert_element_type3A_976 : vector<1x2048xi32> to vector<1x2048xf32>
    %mul3A_978 = arith.mulf %convert_element_type3A_767, %convert_element_type3A_977 : vector<1x2048xf32>
    %slice3A_979 = vector.extract_strided_slice %convert_element_type3A_868 {offsets = [4, 0], sizes = [1, 2048], strides = [1, 1]} : vector<8x2048xf32> to vector<1x2048xf32>
    %mul3A_980 = arith.mulf %mul3A_972, %slice3A_979 : vector<1x2048xf32>
    %add3A_981 = arith.addf %add3A_959, %mul3A_980 : vector<1x2048xf32>
    %mul3A_982 = arith.mulf %mul3A_978, %slice3A_979 : vector<1x2048xf32>
    %add3A_983 = arith.addf %add3A_961, %mul3A_982 : vector<1x2048xf32>
    %mul3A_984 = arith.mulf %mul3A_972, %mul3A_754 : vector<1x2048xf32>
    %add3A_985 = arith.addf %add3A_963, %mul3A_984 : vector<1x2048xf32>
    %mul3A_986 = arith.mulf %mul3A_978, %mul3A_754 : vector<1x2048xf32>
    %add3A_987 = arith.addf %add3A_965, %mul3A_986 : vector<1x2048xf32>
    %add3A_988 = arith.addf %add3A_966, %convert_element_type3A_767 : vector<1x2048xf32>
    %eq3A_989 = arith.constant 0.000000e+00 : f32
    %eq3A_990 = vector.broadcast %eq3A_989 : f32 to vector<1x2048xf32>
    %eq3A_991 = arith.cmpf oeq, %add3A_988, %eq3A_990 : vector<1x2048xf32>
    %convert_element_type3A_992 = arith.extui %eq3A_991 : vector<1x2048xi1> to vector<1x2048xi32>
    %convert_element_type3A_993 = arith.sitofp %convert_element_type3A_992 : vector<1x2048xi32> to vector<1x2048xf32>
    %mul3A_994 = arith.mulf %convert_element_type3A_769, %convert_element_type3A_993 : vector<1x2048xf32>
    %eq3A_995 = arith.constant 1.000000e+00 : f32
    %eq3A_996 = vector.broadcast %eq3A_995 : f32 to vector<1x2048xf32>
    %eq3A_997 = arith.cmpf oeq, %add3A_988, %eq3A_996 : vector<1x2048xf32>
    %convert_element_type3A_998 = arith.extui %eq3A_997 : vector<1x2048xi1> to vector<1x2048xi32>
    %convert_element_type3A_999 = arith.sitofp %convert_element_type3A_998 : vector<1x2048xi32> to vector<1x2048xf32>
    %mul3A_1000 = arith.mulf %convert_element_type3A_769, %convert_element_type3A_999 : vector<1x2048xf32>
    %slice3A_1001 = vector.extract_strided_slice %convert_element_type3A_868 {offsets = [5, 0], sizes = [1, 2048], strides = [1, 1]} : vector<8x2048xf32> to vector<1x2048xf32>
    %mul3A_1002 = arith.mulf %mul3A_994, %slice3A_1001 : vector<1x2048xf32>
    %add3A_1003 = arith.addf %add3A_981, %mul3A_1002 : vector<1x2048xf32>
    %mul3A_1004 = arith.mulf %mul3A_1000, %slice3A_1001 : vector<1x2048xf32>
    %add3A_1005 = arith.addf %add3A_983, %mul3A_1004 : vector<1x2048xf32>
    %mul3A_1006 = arith.mulf %mul3A_994, %mul3A_755 : vector<1x2048xf32>
    %add3A_1007 = arith.addf %add3A_985, %mul3A_1006 : vector<1x2048xf32>
    %mul3A_1008 = arith.mulf %mul3A_1000, %mul3A_755 : vector<1x2048xf32>
    %add3A_1009 = arith.addf %add3A_987, %mul3A_1008 : vector<1x2048xf32>
    %add3A_1010 = arith.addf %add3A_988, %convert_element_type3A_769 : vector<1x2048xf32>
    %eq3A_1011 = arith.constant 0.000000e+00 : f32
    %eq3A_1012 = vector.broadcast %eq3A_1011 : f32 to vector<1x2048xf32>
    %eq3A_1013 = arith.cmpf oeq, %add3A_1010, %eq3A_1012 : vector<1x2048xf32>
    %convert_element_type3A_1014 = arith.extui %eq3A_1013 : vector<1x2048xi1> to vector<1x2048xi32>
    %convert_element_type3A_1015 = arith.sitofp %convert_element_type3A_1014 : vector<1x2048xi32> to vector<1x2048xf32>
    %mul3A_1016 = arith.mulf %convert_element_type3A_771, %convert_element_type3A_1015 : vector<1x2048xf32>
    %eq3A_1017 = arith.constant 1.000000e+00 : f32
    %eq3A_1018 = vector.broadcast %eq3A_1017 : f32 to vector<1x2048xf32>
    %eq3A_1019 = arith.cmpf oeq, %add3A_1010, %eq3A_1018 : vector<1x2048xf32>
    %convert_element_type3A_1020 = arith.extui %eq3A_1019 : vector<1x2048xi1> to vector<1x2048xi32>
    %convert_element_type3A_1021 = arith.sitofp %convert_element_type3A_1020 : vector<1x2048xi32> to vector<1x2048xf32>
    %mul3A_1022 = arith.mulf %convert_element_type3A_771, %convert_element_type3A_1021 : vector<1x2048xf32>
    %slice3A_1023 = vector.extract_strided_slice %convert_element_type3A_868 {offsets = [6, 0], sizes = [1, 2048], strides = [1, 1]} : vector<8x2048xf32> to vector<1x2048xf32>
    %mul3A_1024 = arith.mulf %mul3A_1016, %slice3A_1023 : vector<1x2048xf32>
    %add3A_1025 = arith.addf %add3A_1003, %mul3A_1024 : vector<1x2048xf32>
    %mul3A_1026 = arith.mulf %mul3A_1022, %slice3A_1023 : vector<1x2048xf32>
    %add3A_1027 = arith.addf %add3A_1005, %mul3A_1026 : vector<1x2048xf32>
    %mul3A_1028 = arith.mulf %mul3A_1016, %mul3A_756 : vector<1x2048xf32>
    %add3A_1029 = arith.addf %add3A_1007, %mul3A_1028 : vector<1x2048xf32>
    %mul3A_1030 = arith.mulf %mul3A_1022, %mul3A_756 : vector<1x2048xf32>
    %add3A_1031 = arith.addf %add3A_1009, %mul3A_1030 : vector<1x2048xf32>
    %add3A_1032 = arith.addf %add3A_1010, %convert_element_type3A_771 : vector<1x2048xf32>
    %eq3A_1033 = arith.constant 0.000000e+00 : f32
    %eq3A_1034 = vector.broadcast %eq3A_1033 : f32 to vector<1x2048xf32>
    %eq3A_1035 = arith.cmpf oeq, %add3A_1032, %eq3A_1034 : vector<1x2048xf32>
    %convert_element_type3A_1036 = arith.extui %eq3A_1035 : vector<1x2048xi1> to vector<1x2048xi32>
    %convert_element_type3A_1037 = arith.sitofp %convert_element_type3A_1036 : vector<1x2048xi32> to vector<1x2048xf32>
    %mul3A_1038 = arith.mulf %convert_element_type3A_773, %convert_element_type3A_1037 : vector<1x2048xf32>
    %eq3A_1039 = arith.constant 1.000000e+00 : f32
    %eq3A_1040 = vector.broadcast %eq3A_1039 : f32 to vector<1x2048xf32>
    %eq3A_1041 = arith.cmpf oeq, %add3A_1032, %eq3A_1040 : vector<1x2048xf32>
    %convert_element_type3A_1042 = arith.extui %eq3A_1041 : vector<1x2048xi1> to vector<1x2048xi32>
    %convert_element_type3A_1043 = arith.sitofp %convert_element_type3A_1042 : vector<1x2048xi32> to vector<1x2048xf32>
    %mul3A_1044 = arith.mulf %convert_element_type3A_773, %convert_element_type3A_1043 : vector<1x2048xf32>
    %slice3A_1045 = vector.extract_strided_slice %convert_element_type3A_868 {offsets = [7, 0], sizes = [1, 2048], strides = [1, 1]} : vector<8x2048xf32> to vector<1x2048xf32>
    %mul3A_1046 = arith.mulf %mul3A_1038, %slice3A_1045 : vector<1x2048xf32>
    %add3A_1047 = arith.addf %add3A_1025, %mul3A_1046 : vector<1x2048xf32>
    %mul3A_1048 = arith.mulf %mul3A_1044, %slice3A_1045 : vector<1x2048xf32>
    %add3A_1049 = arith.addf %add3A_1027, %mul3A_1048 : vector<1x2048xf32>
    %mul3A_1050 = arith.mulf %mul3A_1038, %mul3A_757 : vector<1x2048xf32>
    %add3A_1051 = arith.addf %add3A_1029, %mul3A_1050 : vector<1x2048xf32>
    %mul3A_1052 = arith.mulf %mul3A_1044, %mul3A_757 : vector<1x2048xf32>
    %add3A_1053 = arith.addf %add3A_1031, %mul3A_1052 : vector<1x2048xf32>
    %concatenate3A_1054 = tpu.concatenate %add3A_1047, %add3A_1049 in 0 : vector<1x2048xf32>, vector<1x2048xf32> -> vector<2x2048xf32>
    %convert_element_type3A_1055 = arith.fptosi %concatenate3A_1054 : vector<2x2048xf32> to vector<2x2048xi32>
    %swap3A = arith.constant 0 : index
    %swap3A_1056 = arith.constant 0 : index
    %swap3A_1057 = vector.load %arg4[%swap3A, %swap3A_1056] : memref<2x2048xi32, #tpu.memory_space<vmem>>, vector<2x2048xi32>
    tpu.vector_store %arg4[%swap3A, %swap3A_1056], %convert_element_type3A_1055 {strides = array<i32>} : memref<2x2048xi32, #tpu.memory_space<vmem>>, vector<2x2048xi32>,
    %broadcast_in_dim3A_1058 = arith.constant 0.000000e+00 : f32
    %broadcast_in_dim3A_1059 = vector.broadcast %broadcast_in_dim3A_1058 : f32 to vector<1x2048xf32>
    %concatenate3A_1060 = tpu.concatenate %add3A_1051, %add3A_1053, %broadcast_in_dim3A_1059, %broadcast_in_dim3A_1059, %broadcast_in_dim3A_1059, %broadcast_in_dim3A_1059, %broadcast_in_dim3A_1059, %broadcast_in_dim3A_1059 in 0 : vector<1x2048xf32>, vector<1x2048xf32>, vector<1x2048xf32>, vector<1x2048xf32>, vector<1x2048xf32>, vector<1x2048xf32>, vector<1x2048xf32>, vector<1x2048xf32> -> vector<8x2048xf32>
    %transpose3A_1061 = tpu.transpose %concatenate3A_1060, [1, 0] : vector<8x2048xf32> -> vector<2048x8xf32>
    %swap3A_1062 = arith.constant 0 : index
    %swap3A_1063 = arith.constant 0 : index
    %swap3A_1064 = vector.load %arg3[%swap3A_1062, %swap3A_1063] : memref<2048x8xf32, #tpu.memory_space<vmem>>, vector<2048x8xf32>
    tpu.vector_store %arg3[%swap3A_1062, %swap3A_1063], %transpose3A_1061 {strides = array<i32>} : memref<2048x8xf32, #tpu.memory_space<vmem>>, vector<2048x8xf32>,
    %iota3A_1065 = tpu.iota {dimensions = array<i32: 1>} : vector<8x64xi32>
    %shift_right_arithmetic3A_1066 = arith.constant 9 : i32
    %shift_right_arithmetic3A_1067 = vector.broadcast %shift_right_arithmetic3A_1066 : i32 to vector<8x1xi32>
    %shift_right_arithmetic3A_1068 = arith.shrsi %convert_element_type3A_864, %shift_right_arithmetic3A_1067 : vector<8x1xi32>
    %ge3A = vector.broadcast %shift_right_arithmetic3A_1068 : vector<8x1xi32> to vector<8x64xi32>
    %ge3A_1069 = arith.cmpi sge, %iota3A_1065, %ge3A : vector<8x64xi32>
    %convert_element_type3A_1070 = arith.extui %ge3A_1069 : vector<8x64xi1> to vector<8x64xi32>
    %reduce_sum3A = arith.constant dense<0> : vector<64xi32>
    %reduce_sum3A_1071 = vector.multi_reduction <add>, %convert_element_type3A_1070, %reduce_sum3A [0] : vector<8x64xi32> to vector<64xi32>
    %broadcast_in_dim3A_1072 = vector.shape_cast %reduce_sum3A_1071 : vector<64xi32> to vector<1x64xi32>
    %sub3A_1073 = arith.constant 1 : i32
    %sub3A_1074 = vector.broadcast %sub3A_1073 : i32 to vector<1x64xi32>
    %sub3A_1075 = arith.subi %broadcast_in_dim3A_1072, %sub3A_1074 : vector<1x64xi32>
    %jit3A_1076 = arith.constant 0 : i32
    %jit3A_1077 = arith.constant 7 : i32
    %max3A = vector.broadcast %jit3A_1076 : i32 to vector<1x64xi32>
    %max3A_1078 = arith.maxsi %max3A, %sub3A_1075 : vector<1x64xi32>
    %min3A = vector.broadcast %jit3A_1077 : i32 to vector<1x64xi32>
    %min3A_1079 = arith.minsi %min3A, %max3A_1078 : vector<1x64xi32>
    %reduce_sum3A_1080 = arith.constant dense<0> : vector<1xi32>
    %reduce_sum3A_1081 = vector.multi_reduction <add>, %shift_left3A_855, %reduce_sum3A_1080 [0] : vector<8x1xi32> to vector<1xi32>
    %broadcast_in_dim3A_1082 = vector.shape_cast %reduce_sum3A_1081 : vector<1xi32> to vector<1x1xi32>
    %shift_right_arithmetic3A_1083 = arith.constant 9 : i32
    %shift_right_arithmetic3A_1084 = vector.broadcast %shift_right_arithmetic3A_1083 : i32 to vector<1x1xi32>
    %shift_right_arithmetic3A_1085 = arith.shrsi %broadcast_in_dim3A_1082, %shift_right_arithmetic3A_1084 : vector<1x1xi32>
    %iota3A_1086 = tpu.iota {dimensions = array<i32: 1>} : vector<1x64xi32>
    %eq3A_1087 = arith.constant 63 : i32
    %eq3A_1088 = vector.broadcast %eq3A_1087 : i32 to vector<1x64xi32>
    %eq3A_1089 = arith.cmpi eq, %iota3A_1086, %eq3A_1088 : vector<1x64xi32>
    %broadcast_in_dim3A_1090 = vector.shape_cast %shift_right_arithmetic3A_1085 : vector<1x1xi32> to vector<1x1xi32>
    %broadcast_in_dim3A_1091 = vector.broadcast %broadcast_in_dim3A_1090 : vector<1x1xi32> to vector<1x64xi32>
    %select_n3A_1092 = arith.select %eq3A_1089, %broadcast_in_dim3A_1091, %min3A_1079 : vector<1x64xi1>, vector<1x64xi32>
    %broadcast_in_dim3A_1093 = arith.constant 0 : i32
    %broadcast_in_dim3A_1094 = vector.broadcast %broadcast_in_dim3A_1093 : i32 to vector<8x64xi32>
    %add3A_1095 = vector.broadcast %select_n3A_1092 : vector<1x64xi32> to vector<8x64xi32>
    %add3A_1096 = arith.addi %add3A_1095, %broadcast_in_dim3A_1094 : vector<8x64xi32>
    %swap3A_1097 = arith.constant 0 : index
    %swap3A_1098 = arith.constant 0 : index
    %swap3A_1099 = vector.load %arg5[%swap3A_1097, %swap3A_1098] : memref<8x64xi32, #tpu.memory_space<vmem>>, vector<8x64xi32>
    tpu.vector_store %arg5[%swap3A_1097, %swap3A_1098], %add3A_1096 {strides = array<i32>} : memref<8x64xi32, #tpu.memory_space<vmem>>, vector<8x64xi32>,
    %slice3A_1100 = vector.extract_strided_slice %get3A_1 {offsets = [0, 0], sizes = [2048, 512], strides = [1, 1]} : vector<2048x1024xf32> to vector<2048x512xf32>
    %slice3A_1101 = vector.extract_strided_slice %get3A_1 {offsets = [0, 512], sizes = [2048, 512], strides = [1, 1]} : vector<2048x1024xf32> to vector<2048x512xf32>
    %convert_element_type3A_1102 = arith.truncf %slice3A_1100 : vector<2048x512xf32> to vector<2048x512xbf16>
    %bitcast_convert_type3A = tpu.bitcast %convert_element_type3A_1102 : vector<2048x512xbf16> -> vector<2048x512xi16>
    %convert_element_type3A_1103 = arith.extui %bitcast_convert_type3A : vector<2048x512xi16> to vector<2048x512xi32>
    %convert_element_type3A_1104 = arith.truncf %slice3A_1101 : vector<2048x512xf32> to vector<2048x512xbf16>
    %bitcast_convert_type3A_1105 = tpu.bitcast %convert_element_type3A_1104 : vector<2048x512xbf16> -> vector<2048x512xi16>
    %convert_element_type3A_1106 = arith.extui %bitcast_convert_type3A_1105 : vector<2048x512xi16> to vector<2048x512xi32>
    %shift_left3A_1107 = arith.constant 16 : i32
    %shift_left3A_1108 = vector.broadcast %shift_left3A_1107 : i32 to vector<2048x512xi32>
    %shift_left3A_1109 = arith.shli %convert_element_type3A_1106, %shift_left3A_1108 : vector<2048x512xi32>
    %or3A_1110 = arith.ori %convert_element_type3A_1103, %shift_left3A_1109 : vector<2048x512xi32>
    %bitcast_convert_type3A_1111 = tpu.bitcast %or3A_1110 : vector<2048x512xi32> -> vector<2048x512xi32>
    %swap3A_1112 = arith.constant 0 : index
    %swap3A_1113 = arith.constant 0 : index
    %swap3A_1114 = vector.load %arg6[%swap3A_1112, %swap3A_1113] : memref<2048x512xi32, #tpu.memory_space<vmem>>, vector<2048x512xi32>
    tpu.vector_store %arg6[%swap3A_1112, %swap3A_1113], %bitcast_convert_type3A_1111 {strides = array<i32>} : memref<2048x512xi32, #tpu.memory_space<vmem>>, vector<2048x512xi32>,
    return
  }
}

module attributes {stable_mosaic.version = 14 : i64} {
  func.func @_final_kernel(%arg0: memref<2048x512xi32, #tpu.memory_space<vmem>>, %arg1: memref<512x1024xf32, #tpu.memory_space<vmem>>, %arg2: memref<512x1024xf32, #tpu.memory_space<vmem>>, %arg3: memref<1024x512xf32, #tpu.memory_space<vmem>>, %arg4: memref<2x2048x512xi32, #tpu.memory_space<vmem>>, %arg5: memref<2048x8xf32, #tpu.memory_space<vmem>>, %arg6: memref<2048x1024xf32, #tpu.memory_space<vmem>>) attributes {dimension_semantics = [], scalar_prefetch = 0 : i64, scratch_operands = 0 : i64, tpu.core_type = #tpu.core_type<tc>} {
    %get3A = arith.constant 0 : index
    %get3A_0 = arith.constant 0 : index
    %get3A_1 = vector.load %arg0[%get3A, %get3A_0] : memref<2048x512xi32, #tpu.memory_space<vmem>>, vector<2048x512xi32>
    %shift_left3A = arith.constant 16 : i32
    %shift_left3A_2 = vector.broadcast %shift_left3A : i32 to vector<2048x512xi32>
    %shift_left3A_3 = arith.shli %get3A_1, %shift_left3A_2 : vector<2048x512xi32>
    %bitcast_convert_type3A = tpu.bitcast %shift_left3A_3 : vector<2048x512xi32> -> vector<2048x512xf32>
    %and3A = arith.constant -65536 : i32
    %and3A_4 = vector.broadcast %and3A : i32 to vector<2048x512xi32>
    %and3A_5 = arith.andi %get3A_1, %and3A_4 : vector<2048x512xi32>
    %bitcast_convert_type3A_6 = tpu.bitcast %and3A_5 : vector<2048x512xi32> -> vector<2048x512xf32>
    %convert_element_type3A = arith.truncf %bitcast_convert_type3A : vector<2048x512xf32> to vector<2048x512xbf16>
    %convert_element_type3A_7 = arith.truncf %bitcast_convert_type3A_6 : vector<2048x512xf32> to vector<2048x512xbf16>
    %get3A_8 = arith.constant 0 : index
    %get3A_9 = arith.constant 0 : index
    %get3A_10 = vector.load %arg1[%get3A_8, %get3A_9] : memref<512x1024xf32, #tpu.memory_space<vmem>>, vector<512x1024xf32>
    %get3A_11 = arith.constant 0 : index
    %get3A_12 = arith.constant 0 : index
    %get3A_13 = vector.load %arg2[%get3A_11, %get3A_12] : memref<512x1024xf32, #tpu.memory_space<vmem>>, vector<512x1024xf32>
    %slice3A = vector.extract_strided_slice %get3A_10 {offsets = [0, 0], sizes = [512, 512], strides = [1, 1]} : vector<512x1024xf32> to vector<512x512xf32>
    %convert_element_type3A_14 = arith.truncf %slice3A : vector<512x512xf32> to vector<512x512xbf16>
    %dot_general3A = arith.constant dense<0.000000e+00> : vector<2048x512xf32>
    %dot_general3A_15 = tpu.matmul %convert_element_type3A, %convert_element_type3A_14, %dot_general3A {dimension_numbers = #tpu.dot_dimension_numbers<[1], [1], [0], [0], [0, 0, 1, 0], [], []>, transpose_lhs_hint = false} : vector<2048x512xbf16>, vector<512x512xbf16>, vector<2048x512xf32> -> vector<2048x512xf32>
    %slice3A_16 = vector.extract_strided_slice %get3A_10 {offsets = [0, 512], sizes = [512, 512], strides = [1, 1]} : vector<512x1024xf32> to vector<512x512xf32>
    %convert_element_type3A_17 = arith.truncf %slice3A_16 : vector<512x512xf32> to vector<512x512xbf16>
    %dot_general3A_18 = arith.constant dense<0.000000e+00> : vector<2048x512xf32>
    %dot_general3A_19 = tpu.matmul %convert_element_type3A_7, %convert_element_type3A_17, %dot_general3A_18 {dimension_numbers = #tpu.dot_dimension_numbers<[1], [1], [0], [0], [0, 0, 1, 0], [], []>, transpose_lhs_hint = false} : vector<2048x512xbf16>, vector<512x512xbf16>, vector<2048x512xf32> -> vector<2048x512xf32>
    %add3A = arith.addf %dot_general3A_15, %dot_general3A_19 : vector<2048x512xf32>
    %slice3A_20 = vector.extract_strided_slice %get3A_13 {offsets = [0, 0], sizes = [512, 512], strides = [1, 1]} : vector<512x1024xf32> to vector<512x512xf32>
    %convert_element_type3A_21 = arith.truncf %slice3A_20 : vector<512x512xf32> to vector<512x512xbf16>
    %dot_general3A_22 = arith.constant dense<0.000000e+00> : vector<2048x512xf32>
    %dot_general3A_23 = tpu.matmul %convert_element_type3A, %convert_element_type3A_21, %dot_general3A_22 {dimension_numbers = #tpu.dot_dimension_numbers<[1], [1], [0], [0], [0, 0, 1, 0], [], []>, transpose_lhs_hint = false} : vector<2048x512xbf16>, vector<512x512xbf16>, vector<2048x512xf32> -> vector<2048x512xf32>
    %slice3A_24 = vector.extract_strided_slice %get3A_13 {offsets = [0, 512], sizes = [512, 512], strides = [1, 1]} : vector<512x1024xf32> to vector<512x512xf32>
    %convert_element_type3A_25 = arith.truncf %slice3A_24 : vector<512x512xf32> to vector<512x512xbf16>
    %dot_general3A_26 = arith.constant dense<0.000000e+00> : vector<2048x512xf32>
    %dot_general3A_27 = tpu.matmul %convert_element_type3A_7, %convert_element_type3A_25, %dot_general3A_26 {dimension_numbers = #tpu.dot_dimension_numbers<[1], [1], [0], [0], [0, 0, 1, 0], [], []>, transpose_lhs_hint = false} : vector<2048x512xbf16>, vector<512x512xbf16>, vector<2048x512xf32> -> vector<2048x512xf32>
    %add3A_28 = arith.addf %dot_general3A_23, %dot_general3A_27 : vector<2048x512xf32>
    %logistic3A = arith.negf %add3A : vector<2048x512xf32>
    %logistic3A_29 = math.exp %logistic3A : vector<2048x512xf32>
    %logistic3A_30 = arith.constant 1.000000e+00 : f32
    %logistic3A_31 = vector.broadcast %logistic3A_30 : f32 to vector<2048x512xf32>
    %logistic3A_32 = arith.addf %logistic3A_31, %logistic3A_29 : vector<2048x512xf32>
    %logistic3A_33 = arith.divf %logistic3A_31, %logistic3A_32 : vector<2048x512xf32>
    %mul3A = arith.mulf %add3A, %logistic3A_33 : vector<2048x512xf32>
    %mul3A_34 = arith.mulf %mul3A, %add3A_28 : vector<2048x512xf32>
    %convert_element_type3A_35 = arith.truncf %mul3A_34 : vector<2048x512xf32> to vector<2048x512xbf16>
    %get3A_36 = arith.constant 0 : index
    %get3A_37 = arith.constant 0 : index
    %get3A_38 = vector.load %arg3[%get3A_36, %get3A_37] : memref<1024x512xf32, #tpu.memory_space<vmem>>, vector<1024x512xf32>
    %convert_element_type3A_39 = arith.truncf %get3A_38 : vector<1024x512xf32> to vector<1024x512xbf16>
    %dot_general3A_40 = arith.constant dense<0.000000e+00> : vector<2048x1024xf32>
    %dot_general3A_41 = tpu.matmul %convert_element_type3A_35, %convert_element_type3A_39, %dot_general3A_40 {dimension_numbers = #tpu.dot_dimension_numbers<[1], [1], [0], [0], [0, 0, 1, 0], [], []>, transpose_lhs_hint = false} : vector<2048x512xbf16>, vector<1024x512xbf16>, vector<2048x1024xf32> -> vector<2048x1024xf32>
    %get3A_42 = arith.constant 0 : index
    %get3A_43 = arith.constant 0 : index
    %get3A_44 = arith.constant 0 : index
    %get3A_45 = vector.load %arg4[%get3A_42, %get3A_43, %get3A_44] : memref<2x2048x512xi32, #tpu.memory_space<vmem>>, vector<1x2048x512xi32>
    %get3A_46 = vector.shape_cast %get3A_45 : vector<1x2048x512xi32> to vector<2048x512xi32>
    %shift_left3A_47 = arith.constant 16 : i32
    %shift_left3A_48 = vector.broadcast %shift_left3A_47 : i32 to vector<2048x512xi32>
    %shift_left3A_49 = arith.shli %get3A_46, %shift_left3A_48 : vector<2048x512xi32>
    %bitcast_convert_type3A_50 = tpu.bitcast %shift_left3A_49 : vector<2048x512xi32> -> vector<2048x512xf32>
    %and3A_51 = arith.constant -65536 : i32
    %and3A_52 = vector.broadcast %and3A_51 : i32 to vector<2048x512xi32>
    %and3A_53 = arith.andi %get3A_46, %and3A_52 : vector<2048x512xi32>
    %bitcast_convert_type3A_54 = tpu.bitcast %and3A_53 : vector<2048x512xi32> -> vector<2048x512xf32>
    %get3A_55 = arith.constant 1 : index
    %get3A_56 = arith.constant 0 : index
    %get3A_57 = arith.constant 0 : index
    %get3A_58 = vector.load %arg4[%get3A_55, %get3A_56, %get3A_57] : memref<2x2048x512xi32, #tpu.memory_space<vmem>>, vector<1x2048x512xi32>
    %get3A_59 = vector.shape_cast %get3A_58 : vector<1x2048x512xi32> to vector<2048x512xi32>
    %shift_left3A_60 = arith.constant 16 : i32
    %shift_left3A_61 = vector.broadcast %shift_left3A_60 : i32 to vector<2048x512xi32>
    %shift_left3A_62 = arith.shli %get3A_59, %shift_left3A_61 : vector<2048x512xi32>
    %bitcast_convert_type3A_63 = tpu.bitcast %shift_left3A_62 : vector<2048x512xi32> -> vector<2048x512xf32>
    %and3A_64 = arith.constant -65536 : i32
    %and3A_65 = vector.broadcast %and3A_64 : i32 to vector<2048x512xi32>
    %and3A_66 = arith.andi %get3A_59, %and3A_65 : vector<2048x512xi32>
    %bitcast_convert_type3A_67 = tpu.bitcast %and3A_66 : vector<2048x512xi32> -> vector<2048x512xf32>
    %get3A_68 = arith.constant 0 : index
    %get3A_69 = arith.constant 0 : index
    %get3A_70 = vector.load %arg5[%get3A_68, %get3A_69] : memref<2048x8xf32, #tpu.memory_space<vmem>>, vector<2048x1xf32>
    %get3A_71 = arith.constant 0 : index
    %get3A_72 = arith.constant 1 : index
    %get3A_73 = vector.load %arg5[%get3A_71, %get3A_72] : memref<2048x8xf32, #tpu.memory_space<vmem>>, vector<2048x1xf32>
    %slice3A_74 = vector.extract_strided_slice %dot_general3A_41 {offsets = [0, 0], sizes = [2048, 512], strides = [1, 1]} : vector<2048x1024xf32> to vector<2048x512xf32>
    %mul3A_75 = vector.broadcast %get3A_70 : vector<2048x1xf32> to vector<2048x512xf32>
    %mul3A_76 = arith.mulf %bitcast_convert_type3A_50, %mul3A_75 : vector<2048x512xf32>
    %add3A_77 = arith.addf %slice3A_74, %mul3A_76 : vector<2048x512xf32>
    %mul3A_78 = vector.broadcast %get3A_73 : vector<2048x1xf32> to vector<2048x512xf32>
    %mul3A_79 = arith.mulf %bitcast_convert_type3A_63, %mul3A_78 : vector<2048x512xf32>
    %add3A_80 = arith.addf %add3A_77, %mul3A_79 : vector<2048x512xf32>
    %swap3A = arith.constant 0 : index
    %swap3A_81 = arith.constant 0 : index
    %swap3A_82 = vector.load %arg6[%swap3A, %swap3A_81] : memref<2048x1024xf32, #tpu.memory_space<vmem>>, vector<2048x512xf32>
    tpu.vector_store %arg6[%swap3A, %swap3A_81], %add3A_80 {strides = array<i32>} : memref<2048x1024xf32, #tpu.memory_space<vmem>>, vector<2048x512xf32>,
    %slice3A_83 = vector.extract_strided_slice %dot_general3A_41 {offsets = [0, 512], sizes = [2048, 512], strides = [1, 1]} : vector<2048x1024xf32> to vector<2048x512xf32>
    %mul3A_84 = vector.broadcast %get3A_70 : vector<2048x1xf32> to vector<2048x512xf32>
    %mul3A_85 = arith.mulf %bitcast_convert_type3A_54, %mul3A_84 : vector<2048x512xf32>
    %add3A_86 = arith.addf %slice3A_83, %mul3A_85 : vector<2048x512xf32>
    %mul3A_87 = vector.broadcast %get3A_73 : vector<2048x1xf32> to vector<2048x512xf32>
    %mul3A_88 = arith.mulf %bitcast_convert_type3A_67, %mul3A_87 : vector<2048x512xf32>
    %add3A_89 = arith.addf %add3A_86, %mul3A_88 : vector<2048x512xf32>
    %swap3A_90 = arith.constant 0 : index
    %swap3A_91 = arith.constant 512 : index
    %swap3A_92 = vector.load %arg6[%swap3A_90, %swap3A_91] : memref<2048x1024xf32, #tpu.memory_space<vmem>>, vector<2048x512xf32>
    tpu.vector_store %arg6[%swap3A_90, %swap3A_91], %add3A_89 {strides = array<i32>} : memref<2048x1024xf32, #tpu.memory_space<vmem>>, vector<2048x512xf32>,
    return
  }
}

</mosaic_0001>

<sc_bundles>
// kernel: kernel.10.cloned.1.call-start
scs
__scs_entry_jumppad:
0x0: {  	(pc) =	sbr.rel $0x88, $3  }
0x1: {  	(tag) =	ssettag $0x0;
	lr =	simm.s32 $0x1  }
0x2: {  	[smem:$0x3F98] =	sst lr;
	_ =	strace $0xD0000000  }
0x3: {  	_ = 	snop  }
0x4: {  	_ = 	snop  }
0x5: {  	_ = 	snop  }
0x6: {  	_ = 	snop  }
0x7: {  	_ = 	snop  }
__scs_overlays_trampoline_lowered:
0x8: {  	[smem:$0x3FA7] =	sst s0  }
0x9: {  	[smem:$0x3FA8] =	sst s1  }
0xa: {  	[smem:$0x3FA9] =	sst s2  }
0xb: {  	[smem:$0x3FAA] =	sst s3  }
0xc: {  	[smem:$0x3FAB] =	sst s4  }
0xd: {  	[smem:$0x3FAC] =	sst s5  }
0xe: {  	[smem:$0x3FAD] =	sst s6  }
0xf: {  	[smem:$0x3FAE] =	sst s7  }
0x10: {  	[smem:$0x3FAF] =	sst s8  }
0x11: {  	[smem:$0x3FB0] =	sst s9;
	s0 =	simm.s32 @!p0 $0x0  }
0x12: {  	s1 =	sld [smem:$0x3F96];
	s0 =	simm.s32 @p0 $0x1  }
0x13: {  	[smem:$0x3FB1] =	sst s0;
	s0 =	simm.s32 @!p1 $0x0  }
0x14: {  	s2 =	sld [smem:$0x3F95];
	s0 =	simm.s32 @p1 $0x1  }
0x15: {  	[smem:$0x3FB2] =	sst s0;
	s0 =	simm.s32 @!p2 $0x0  }
0x16: {  	s3 =	sld [smem:$0x3FDB];
	s0 =	simm.s32 @p2 $0x1  }
0x17: {  	s4 =	simm.s32 $0x1BF5;
	[smem:$0x3FB4] =	sst s0  }
0x18: {  	s0 =	sld [smem:$0x3F97];
	_ =	swait.ge [sflag:s4], $0x0  }
0x19: {  	s7 =	sld [smem:$0x3F98]  }
0x1a: {  	s8 =	sadd.s32 $0xFFFFE003, lr  }
0x1b: {  	s9 =	sadd.s32 $0xFFFFFEF7, lr;
	s5 =	simm.s32 $0xFFFFFFFF;
	p2 =	slt.u32 s8, $0xFFFFF086  }
0x1c: {  	p1 =	slt.u32 s9, $0xF7A;
	s5 =	simm.s32 @!p2 $0x0  }
0x1d: {  	s5 =	simm.s32 @p1 $0x1;
	p0 =	seq.s32 s7, s2  }
0x1e: {  	s7 =	smul.u32 @!p0 $0xF7A, s2;
	p2 =	seq.s32 @!p0 s5, $0x0  }
0x1f: {  	s9 =	smul.u32 $0xF7A, s1;
	s8 =	simm.s32 @!p0 $0x1BF5;
	p2 =	por !p2, p0  }
0x20: {  	[sflag:s8] =	ssyncset.s32 @!p0 $0xFFFFF086;
	s6 =	sadd.s32 @!p0 s3, s7;
	s7 =	simm.s32 @!p0 $0x108  }
0x21: {  	s3 =	sadd.s32 s3, s9;
	s6 =	sadd.s32 @!p0 $0x88, s6;
	s7 =	simm.s32 @p2 $0x1082  }
0x22: {  	[simem:s7], [sflag:s8] =	dma.local @!p0 [hbm:s6], $0xF7A  }
0x23: {  	s9 =	sor.u32 $0xD0000000, s2;
	s6 =	simm.s32 $0x108;
	_ =	swait.ge @!p0 [sflag:s8], $0x0  }
0x24: {  	s3 =	sadd.s32 $0x88, s3;
	s6 =	simm.s32 @!p1 $0x1082;
	[sflag:s4] =	ssyncset.s32 $0xFFFFF086  }
0x25: {  	[simem:s6], [sflag:s4] =	dma.local [hbm:s3], $0xF7A  }
0x26: {  	[smem:$0x3F98] =	sst s1;
	(tag) =	ssettag s2;
	_ =	strace s9  }
0x27: {  	s1 =	sld [smem:$0x3FA8]  }
0x28: {  	s2 =	sld [smem:$0x3FA9]  }
0x29: {  	s4 =	sld [smem:$0x3FAB]  }
0x2a: {  	p0 =	seq.s32 s5, $0x0;
	s5 =	sld [smem:$0x3FAC]  }
0x2b: {  	s6 =	sld [smem:$0x3FAD]  }
0x2c: {  	s7 =	sld [smem:$0x3FAE]  }
0x2d: {  	s3 =	simm.s32 $0x108;
	s8 =	sld [smem:$0x3FAF]  }
0x2e: {  	s3 =	simm.s32 @!p0 $0x1082;
	s9 =	sld [smem:$0x3FB0]  }
0x2f: {  	lr =	sadd.s32 s0, s3;
	s0 =	sld [smem:$0x3FA7]  }
0x30: {  	s3 =	sld [smem:$0x3FAA]  }
0x31: {  	[smem:$0x3FB3] =	sst s10  }
0x32: {  	s10 =	sld [smem:$0x3FB1];
	_ =	sdelay $0x3  }
0x33: {  	p0 =	seq.s32 s10, $0x1;
	s10 =	sld [smem:$0x3FB3];
	_ =	sdelay $0x3  }
0x34: {  	[smem:$0x3FB3] =	sst s10  }
0x35: {  	s10 =	sld [smem:$0x3FB2];
	_ =	sdelay $0x3  }
0x36: {  	p1 =	seq.s32 s10, $0x1;
	s10 =	sld [smem:$0x3FB3];
	_ =	sdelay $0x3  }
0x37: {  	[smem:$0x3FB3] =	sst s10  }
0x38: {  	s10 =	sld [smem:$0x3FB4]  }
0x39: {  	_ = 	snop;
	(pc) =	sbr.ind lr, $3  }
0x3a: {  	_ = 	snop  }
0x3b: {  	_ = 	snop  }
0x3c: {  	p2 =	seq.s32 s10, $0x1;
	s10 =	sld [smem:$0x3FB3]  }
0x3d: {  	_ =	shalt  }
0x3e: {  	_ =	shalt  }
0x3f: {  	_ =	shalt  }
0x40: {  	_ =	shalt  }
0x41: {  	_ =	shalt  }
0x42: {  	_ =	shalt  }
0x43: {  	_ =	shalt  }
0x44: {  	_ =	shalt  }
0x45: {  	_ =	shalt  }
0x46: {  	_ =	shalt  }
0x47: {  	_ =	shalt  }
0x48: {  	_ =	shalt  }
0x49: {  	_ =	shalt  }
0x4a: {  	_ =	shalt  }
0x4b: {  	_ =	shalt  }
0x4c: {  	_ =	shalt  }
0x4d: {  	_ =	shalt  }
0x4e: {  	_ =	shalt  }
0x4f: {  	_ =	shalt  }
0x50: {  	_ =	shalt  }
0x51: {  	_ =	shalt  }
0x52: {  	_ =	shalt  }
0x53: {  	_ =	shalt  }
0x54: {  	_ =	shalt  }
0x55: {  	_ =	shalt  }
0x56: {  	_ =	shalt  }
0x57: {  	_ =	shalt  }
0x58: {  	_ =	shalt  }
0x59: {  	_ =	shalt  }
0x5a: {  	_ =	shalt  }
0x5b: {  	_ =	shalt  }
0x5c: {  	_ =	shalt  }
0x5d: {  	_ =	shalt  }
0x5e: {  	_ =	shalt  }
0x5f: {  	_ =	shalt  }
0x60: {  	_ =	shalt  }
0x61: {  	_ =	shalt  }
0x62: {  	_ =	shalt  }
0x63: {  	_ =	shalt  }
0x64: {  	_ =	shalt  }
0x65: {  	_ =	shalt  }
0x66: {  	_ =	shalt  }
0x67: {  	_ =	shalt  }
0x68: {  	_ =	shalt  }
0x69: {  	_ =	shalt  }
0x6a: {  	_ =	shalt  }
0x6b: {  	_ =	shalt  }
0x6c: {  	_ =	shalt  }
0x6d: {  	_ =	shalt  }
0x6e: {  	_ =	shalt  }
0x6f: {  	_ =	shalt  }
0x70: {  	_ =	shalt  }
0x71: {  	_ =	shalt  }
0x72: {  	_ =	shalt  }
0x73: {  	_ =	shalt  }
0x74: {  	_ =	shalt  }
0x75: {  	_ =	shalt  }
0x76: {  	_ =	shalt  }
0x77: {  	_ =	shalt  }
0x78: {  	_ =	shalt  }
0x79: {  	_ =	shalt  }
0x7a: {  	_ =	shalt  }
0x7b: {  	_ =	shalt  }
0x7c: {  	_ =	shalt  }
0x7d: {  	_ =	shalt  }
0x7e: {  	_ =	shalt  }
0x7f: {  	_ =	shalt  }
0x80: {  	_ =	shalt  }
0x81: {  	_ =	shalt  }
0x82: {  	_ =	shalt  }
0x83: {  	_ =	shalt  }
0x84: {  	_ =	shalt  }
0x85: {  	_ =	shalt  }
0x86: {  	_ =	shalt  }
0x87: {  	_ =	shalt  }
.Lfunc_end0:
.L_simem_size_0:
called_computation.1_lowered:
.L_overlay_start_0:
0x88: {  	s2 =	sld [smem:$0x3FD9]  }
0x89: {  	s3 =	sld [smem:$0x3FFE];
	_ =	sdelay $0x1  }
0x8a: {  	s1 =	srdreg.scid  }
0x8b: {  	s0 =	sand.u32 $0x1, s1  }
0x8c: {  	s17 =	sshll.u32 s0, $0xA;
	s2 =	sadd.s32 s3, s2  }
0x8d: {  	s2 =	sadd.s32 s2, s17  }
0x8e: {  	[smem:$0x3FBF] =	sst s2  }
0x8f: {  	_ = 	snop  }
0x90: {  	s2 =	sld [smem:$0x3FD0];
	(tm) =	ssettm $0x1  }
0x91: {  	s18 =	sld [smem:$0x3FFB];
	_ =	sdelay $0x3  }
0x92: {  	_ =	strace s18  }
0x93: {  	s3 =	sld [smem:$0x3FFC];
	_ =	sdelay $0x3  }
0x94: {  	_ =	strace s3  }
0x95: {  	s3 =	sld [smem:$0x3FFD];
	_ =	sdelay $0x3  }
0x96: {  	_ =	strace s3  }
0x97: {  	_ =	strace $0x8FFFFFFF  }
0x98: {  	s19 =	sld [smem:$0x3FDB];
	_ =	sdelay $0x1  }
0x99: {  	s4 =	simm.s32 $_scs_section_size  }
0x9a: {  	s5 =	simm.s32 $_size__tile_overlayer_lowered;
	s6 =	simm.s32 $_tile_overlayer_lowered  }
0x9b: {  	s22 =	simm.s32 $0x1BFF;
	s21 =	sshll.u32 s6, $0x1;
	s3 =	sadd.s32 s4, s19  }
0x9c: {  	s7 =	simm.s32 $0x0;
	s20 =	sshll.u32 s5, $0x1;
	s5 =	sadd.s32 s21, s3  }
0x9d: {  	[timem:s7], [sflag:s22] =	dma.local [hbm:s5], s20  }
0x9e: {  	_ =	swait.ge [sflag:s22], s20  }
0x9f: {  	s4 =	ssub.s32 $0x0, s20;
	[sflag:s22] =	ssyncset.done $0x0  }
0xa0: {  	[sflag:s22] =	ssyncadd.s32 s4;
	_ =	sdelay $0x1  }
0xa1: {  	s23 =	simm.s32 $0x1B8B  }
0xa2: {  	_ =	swait.ge [sflag:s23], $0x1  }
0xa3: {  	[sflag:s23] =	ssyncset.done $0x0  }
0xa4: {  	s25 =	simm.s32 $0x1B8E;
	s24 =	sld [smem:$0x3FFE];
	[sflag:s23] =	ssyncadd.s32 $0xFFFFFFFF  }
0xa5: {  	s26 =	simm.s32 $execute0_lowered;
	[smem:$0x3FD2] =	sst s25  }
0xa6: {  	s5 =	sshll.u32 s26, $0x1;
	_ =	strace $0x80000049;
	[dreg:$0x1] =	wrdreg $0xFFFFFFFF  }
0xa7: {  	s28 =	simm.s32 $_size_execute0_lowered;
	s3 =	sadd.s32 s3, s5;
	[dreg:$0x0] =	wrdreg $0x0  }
0xa8: {  	s5 =	sshll.u32 s28, $0x1;
	[dreg:$0x2] =	wrdreg s3  }
0xa9: {  	[dreg:$0x3] =	wrdreg s5  }
0xaa: {  	[dreg:$0x4] =	wrdreg $0xC0  }
0xab: {  	_ =	task [dreg:s7], $0x5FFFF  }
0xac: {  	[dreg:$0x1] =	wrdreg $0xFFFFFFFF  }
0xad: {  	[dreg:$0x0] =	wrdreg $0x60  }
0xae: {  	[dreg:$0x2] =	wrdreg s24  }
0xaf: {  	[dreg:$0x3] =	wrdreg s2  }
0xb0: {  	[dreg:$0x4] =	wrdreg $0x9  }
0xb1: {  	_ =	task.clear_ibuf [dreg:s7], $0x5FFFF;
	_ =	strace $0x90000049  }
0xb2: {  	s29 =	simm.s32 $0x9;
	_ =	strace $0x8000004B  }
0xb3: {  	_ =	swait.ge [sflag:s29], $0x1  }
0xb4: {  	[sflag:s29] =	ssyncadd.s32 $0xFFFFFFFF  }
0xb5: {  	_ =	strace $0x9000004B  }
0xb6: {  	_ =	sfence  }
0xb7: {  	s30 =	sld [smem:$0x0];
	_ =	sdelay $0x2  }
0xb8: {  	s31 =	sshll.u32 s1, $0xD;
	s1 =	sshrl.u32 s1, $0x2  }
0xb9: {  	s3 =	sand.u32 $0x4000, s31;
	s1 =	sadd.s32 s1, s30  }
0xba: {  	s0 =	sor.u32 s3, s0;
	s1 =	sshll.u32 s1, $0x11  }
0xbb: {  	s0 =	sor.u32 s1, s0  }
0xbc: {  	s0 =	sadd.s32 $0x8F2B, s0  }
0xbd: {  	[sflag:s0] =	ssyncadd.remote.s32 $0x1  }
0xbe: {  	_ =	sfence.sel $0xFFFF  }
0xbf: {  	[dreg:$0x0] =	wrdreg $0xFFFFFFFF;
	(pc) =	sbr.abs _section_cstart, $3  }
0xc0: {  	[dreg:$0x1] =	wrdreg $0xFFFFFFFF  }
0xc1: {  	_ =	task.clear_ibuf [dreg:s7], $0x2FFFF;
	_ =	strace $0x9FFFFFFF  }
0xc2: {  	(tm) =	ssettm $0x7FFFFFFF  }
0xc3: {  	_ =	shalt  }
tec
execute0_lowered:
.L_overlay_start_1:
0x0: {  	(tag) =	ssettag $0x1  }
0x1: {  	s1 =	srdreg.scid;
	s5 =	rddreg [dreg:$0x0]  }
0x2: {  	s0 =	stileid.u32;
	s3 =	rddreg [dreg:$0x1];
	s17 =	simm.s32 $0x900  }
0x3: {  	s18 =	simm.s32 $0x1100;
	s19 =	simm.s32 $0x1900;
	s20 =	simm.s32 $0x2100  }
0x4: {  	s21 =	simm.s32 $0x2900;
	s22 =	simm.s32 $0x3100;
	s23 =	simm.s32 $0x3900  }
0x5: {  	s24 =	simm.s32 $0x4100;
	s1 =	sand.u32 $0x1, s1;
	s2 =	sshll.u32 s0, $0x1  }
0x6: {  	s25 =	simm.s32 $0x4900;
	s4 =	sor.u32 s1, s2;
	s2 =	simm.s32 $0x0  }
0x7: {  	s8 =	simm.s32 $0x100;
	s26 =	simm.s32 $0x5100;
	[smem:$0x7FF] =	sst s2  }
0x8: {  	s10 =	simm.s32 $0x6100;
	_ =	strace $0x8000004A;
	[dreg:$0x5] =	wrdreg s17  }
0x9: {  	s11 =	simm.s32 $0x6900;
	s12 =	simm.s32 $0x7100;
	[dreg:$0x6] =	wrdreg s18  }
0xa: {  	s13 =	simm.s32 $0x7900;
	s14 =	simm.s32 $0x8100;
	[dreg:$0x7] =	wrdreg s19  }
0xb: {  	s15 =	simm.s32 $0x8900;
	s16 =	simm.s32 $0x9100;
	[dreg:$0x8] =	wrdreg s20  }
0xc: {  	s28 =	simm.s32 $0xE900;
	s29 =	simm.s32 $0xF100;
	[dreg:$0x9] =	wrdreg s21  }
0xd: {  	s30 =	simm.s32 $0xF900;
	s31 =	simm.s32 $0x1;
	[dreg:$0xa] =	wrdreg s22  }
0xe: {  	s1 =	ssub.s32 $0x2, s1;
	s6 =	sshll.u32 s4, $0x5;
	[dreg:$0xb] =	wrdreg s23  }
0xf: {  	s4 =	sshll.u32 s4, $0xD;
	s7 =	sshrl.u32 s1, $0x1;
	[dreg:$0xc] =	wrdreg s24  }
0x10: {  	s6 =	sadd.s32 s6, s5;
	s3 =	sadd.s32 s3, s4;
	[dreg:$0xd] =	wrdreg s25  }
0x11: {  	s1 =	ssub.s32 s1, s7;
	s7 =	simm.s32 $0x3;
	[dreg:$0xe] =	wrdreg s26  }
0x12: {  	s17 =	simm.s32 $0x9900;
	s18 =	simm.s32 $0xA100;
	s19 =	simm.s32 $0xA900  }
0x13: {  	s20 =	simm.s32 $0xB100;
	s21 =	simm.s32 $0xB900;
	s22 =	simm.s32 $0xC100  }
0x14: {  	s23 =	simm.s32 $0xC900;
	s24 =	simm.s32 $0xD100;
	s6 =	sadd.s32 $0x21E00, s6  }
0x15: {  	v2 =	vlaneseq.u32;
	s25 =	simm.s32 $0xD900;
	s4 =	sadd.s32 $0x1000, s3;
	[dreg:$0x3] =	wrdreg s6  }
0x16: {  	vm0 =	vmmov $0xffff;
	v1 =	vshrl.u32 v2, $0x3;
	s26 =	simm.s32 $0xE100;
	[dreg:$0x4] =	wrdreg s4;
	s4 =	sadd.s32 $0x22200, s5  }
0x17: {  	v0 =	vand.u32 $0x7, v2;
	v2 =	vor.u32 $0x8, v2;
	v1 =	vmul.u32 $0x8, v1;
	s5 =	sadd.s32 $0x22300, s5;
	s6 =	smax.u32 s1, $0x1;
	s1 =	simm.s32 $0x2  }
.LBB2_1:
0x18: {  	s0 =	rddreg [dreg:$0x3]  }
0x19: {  	[tilespmem:s2], [sflag:$0x3] =	stream.linear.gather [hbm4b:s0+s2], $0x100, $0x38;
	[tilespmem:$0x10100] =	vst v63  }
0x1a: {  	_ =	swait.ge [sflag:s7], $0x100  }
0x1b: {  	[sflag:s7] =	ssyncset.done $0x0  }
0x1c: {  	[sflag:s7] =	ssyncadd.s32 $0xFFFFFF00  }
0x1d: {  	v3 =	vld [tilespmem:$0x0];
	_ =	sdelay $0x4  }
0x1e: {  	v4 =	vshll.u32 v3, $0x2  }
0x1f: {  	v3 =	vand.u32 $0x7, v3;
	v4 =	vand.u32 $0xFFFFFFE0, v4  }
0x20: {  	v3 =	vor.u32 v3, v4  }
0x21: {  	v4 =	vperm.xlane v3, v0;
	_ =	sdelay $0x1  }
0x22: {  	v4 =	vadd.s32 v1, v4;
	_ =	sdelay $0x1  }
0x23: {  	v3 =	vperm.xlane v3, v2;
	_ =	sdelay $0x1  }
0x24: {  	v3 =	vadd.s32 v1, v3  }
0x25: {  	[tilespmem:s8], [sflag:$0x1] =	stream.indirect_vreg.gather [hbm4b:s4+s2], $0x80, v4, vm0, $0xb8;
	[tilespmem:$0x10100] =	vst v63  }
0x26: {  	s0 =	rddreg [dreg:$0x5]  }
0x27: {  	[tilespmem:s0], [sflag:$0x1] =	stream.indirect_vreg.gather [hbm4b:s5+s2], $0x80, v4, vm0, $0xb8;
	[tilespmem:$0x10100] =	vst v63  }
0x28: {  	s9 =	rddreg [dreg:$0x6]  }
0x29: {  	[tilespmem:s9], [sflag:$0x1] =	stream.indirect_vreg.gather [hbm4b:s4+s2], $0x80, v3, vm0, $0xb8;
	[tilespmem:$0x10100] =	vst v63  }
0x2a: {  	s0 =	rddreg [dreg:$0x7]  }
0x2b: {  	[tilespmem:s0], [sflag:$0x1] =	stream.indirect_vreg.gather [hbm4b:s5+s2], $0x80, v3, vm0, $0xb8;
	[tilespmem:$0x10100] =	vst v63  }
0x2c: {  	v3 =	vld [tilespmem:$0x10];
	_ =	sdelay $0x4  }
0x2d: {  	v57 =	vshll.u32 v3, $0x2  }
0x2e: {  	v3 =	vand.u32 $0x7, v3;
	v4 =	vand.u32 $0xFFFFFFE0, v57  }
0x2f: {  	v3 =	vor.u32 v3, v4  }
0x30: {  	v4 =	vperm.xlane v3, v0;
	_ =	sdelay $0x1  }
0x31: {  	v4 =	vadd.s32 v1, v4;
	_ =	sdelay $0x1  }
0x32: {  	v3 =	vperm.xlane v3, v2;
	_ =	sdelay $0x1  }
0x33: {  	s0 =	rddreg [dreg:$0x8];
	v3 =	vadd.s32 v1, v3  }
0x34: {  	[tilespmem:s0], [sflag:$0x1] =	stream.indirect_vreg.gather [hbm4b:s4+s2], $0x80, v4, vm0, $0xb8;
	[tilespmem:$0x10100] =	vst v63  }
0x35: {  	s9 =	rddreg [dreg:$0x9]  }
0x36: {  	[tilespmem:s9], [sflag:$0x1] =	stream.indirect_vreg.gather [hbm4b:s5+s2], $0x80, v4, vm0, $0xb8;
	[tilespmem:$0x10100] =	vst v63  }
0x37: {  	s0 =	rddreg [dreg:$0xa]  }
0x38: {  	[tilespmem:s0], [sflag:$0x1] =	stream.indirect_vreg.gather [hbm4b:s4+s2], $0x80, v3, vm0, $0xb8;
	[tilespmem:$0x10100] =	vst v63  }
0x39: {  	s9 =	rddreg [dreg:$0xb]  }
0x3a: {  	[tilespmem:s9], [sflag:$0x1] =	stream.indirect_vreg.gather [hbm4b:s5+s2], $0x80, v3, vm0, $0xb8;
	[tilespmem:$0x10100] =	vst v63  }
0x3b: {  	v3 =	vld [tilespmem:$0x20];
	_ =	sdelay $0x4  }
0x3c: {  	v58 =	vshll.u32 v3, $0x2  }
0x3d: {  	v3 =	vand.u32 $0x7, v3;
	v4 =	vand.u32 $0xFFFFFFE0, v58  }
0x3e: {  	v3 =	vor.u32 v3, v4  }
0x3f: {  	v4 =	vperm.xlane v3, v0;
	_ =	sdelay $0x1  }
0x40: {  	v4 =	vadd.s32 v1, v4;
	_ =	sdelay $0x1  }
0x41: {  	v3 =	vperm.xlane v3, v2;
	_ =	sdelay $0x1  }
0x42: {  	s0 =	rddreg [dreg:$0xc];
	v3 =	vadd.s32 v1, v3  }
0x43: {  	[tilespmem:s0], [sflag:$0x1] =	stream.indirect_vreg.gather [hbm4b:s4+s2], $0x80, v4, vm0, $0xb8;
	[tilespmem:$0x10100] =	vst v63  }
0x44: {  	s9 =	rddreg [dreg:$0xd]  }
0x45: {  	[tilespmem:s9], [sflag:$0x1] =	stream.indirect_vreg.gather [hbm4b:s5+s2], $0x80, v4, vm0, $0xb8;
	[tilespmem:$0x10100] =	vst v63  }
0x46: {  	s0 =	rddreg [dreg:$0xe]  }
0x47: {  	[tilespmem:s0], [sflag:$0x1] =	stream.indirect_vreg.gather [hbm4b:s4+s2], $0x80, v3, vm0, $0xb8;
	[tilespmem:$0x10100] =	vst v63  }
0x48: {  	s9 =	simm.s32 $0x5900  }
0x49: {  	[tilespmem:s9], [sflag:$0x1] =	stream.indirect_vreg.gather [hbm4b:s5+s2], $0x80, v3, vm0, $0xb8;
	[tilespmem:$0x10100] =	vst v63  }
0x4a: {  	v3 =	vld [tilespmem:$0x30];
	_ =	sdelay $0x4  }
0x4b: {  	v59 =	vshll.u32 v3, $0x2  }
0x4c: {  	v3 =	vand.u32 $0x7, v3;
	v4 =	vand.u32 $0xFFFFFFE0, v59  }
0x4d: {  	v3 =	vor.u32 v3, v4  }
0x4e: {  	v4 =	vperm.xlane v3, v0;
	_ =	sdelay $0x1  }
0x4f: {  	v4 =	vadd.s32 v1, v4;
	_ =	sdelay $0x1  }
0x50: {  	v3 =	vperm.xlane v3, v2;
	_ =	sdelay $0x1  }
0x51: {  	v3 =	vadd.s32 v1, v3  }
0x52: {  	[tilespmem:s10], [sflag:$0x1] =	stream.indirect_vreg.gather [hbm4b:s4+s2], $0x80, v4, vm0, $0xb8;
	[tilespmem:$0x10100] =	vst v63  }
0x53: {  	_ = 	snop  }
0x54: {  	[tilespmem:s11], [sflag:$0x1] =	stream.indirect_vreg.gather [hbm4b:s5+s2], $0x80, v4, vm0, $0xb8;
	[tilespmem:$0x10100] =	vst v63  }
0x55: {  	_ = 	snop  }
0x56: {  	[tilespmem:s12], [sflag:$0x1] =	stream.indirect_vreg.gather [hbm4b:s4+s2], $0x80, v3, vm0, $0xb8;
	[tilespmem:$0x10100] =	vst v63  }
0x57: {  	_ = 	snop  }
0x58: {  	[tilespmem:s13], [sflag:$0x1] =	stream.indirect_vreg.gather [hbm4b:s5+s2], $0x80, v3, vm0, $0xb8;
	[tilespmem:$0x10100] =	vst v63  }
0x59: {  	v3 =	vld [tilespmem:$0x80];
	_ =	sdelay $0x4  }
0x5a: {  	v60 =	vshll.u32 v3, $0x2  }
0x5b: {  	v3 =	vand.u32 $0x7, v3;
	v4 =	vand.u32 $0xFFFFFFE0, v60  }
0x5c: {  	v3 =	vor.u32 v3, v4  }
0x5d: {  	v4 =	vperm.xlane v3, v0;
	_ =	sdelay $0x1  }
0x5e: {  	v4 =	vadd.s32 v1, v4;
	_ =	sdelay $0x1  }
0x5f: {  	v3 =	vperm.xlane v3, v2;
	_ =	sdelay $0x1  }
0x60: {  	v3 =	vadd.s32 v1, v3  }
0x61: {  	[tilespmem:s14], [sflag:$0x1] =	stream.indirect_vreg.gather [hbm4b:s4+s2], $0x80, v4, vm0, $0xb8;
	[tilespmem:$0x10100] =	vst v63  }
0x62: {  	_ = 	snop  }
0x63: {  	[tilespmem:s15], [sflag:$0x1] =	stream.indirect_vreg.gather [hbm4b:s5+s2], $0x80, v4, vm0, $0xb8;
	[tilespmem:$0x10100] =	vst v63  }
0x64: {  	_ = 	snop  }
0x65: {  	[tilespmem:s16], [sflag:$0x1] =	stream.indirect_vreg.gather [hbm4b:s4+s2], $0x80, v3, vm0, $0xb8;
	[tilespmem:$0x10100] =	vst v63  }
0x66: {  	_ = 	snop  }
0x67: {  	[tilespmem:s17], [sflag:$0x1] =	stream.indirect_vreg.gather [hbm4b:s5+s2], $0x80, v3, vm0, $0xb8;
	[tilespmem:$0x10100] =	vst v63  }
0x68: {  	v3 =	vld [tilespmem:$0x90];
	_ =	sdelay $0x4  }
0x69: {  	v61 =	vshll.u32 v3, $0x2  }
0x6a: {  	v3 =	vand.u32 $0x7, v3;
	v4 =	vand.u32 $0xFFFFFFE0, v61  }
0x6b: {  	v3 =	vor.u32 v3, v4  }
0x6c: {  	v4 =	vperm.xlane v3, v0;
	_ =	sdelay $0x1  }
0x6d: {  	v4 =	vadd.s32 v1, v4;
	_ =	sdelay $0x1  }
0x6e: {  	v3 =	vperm.xlane v3, v2;
	_ =	sdelay $0x1  }
0x6f: {  	v3 =	vadd.s32 v1, v3  }
0x70: {  	[tilespmem:s18], [sflag:$0x1] =	stream.indirect_vreg.gather [hbm4b:s4+s2], $0x80, v4, vm0, $0xb8;
	[tilespmem:$0x10100] =	vst v63  }
0x71: {  	_ = 	snop  }
0x72: {  	[tilespmem:s19], [sflag:$0x1] =	stream.indirect_vreg.gather [hbm4b:s5+s2], $0x80, v4, vm0, $0xb8;
	[tilespmem:$0x10100] =	vst v63  }
0x73: {  	_ = 	snop  }
0x74: {  	[tilespmem:s20], [sflag:$0x1] =	stream.indirect_vreg.gather [hbm4b:s4+s2], $0x80, v3, vm0, $0xb8;
	[tilespmem:$0x10100] =	vst v63  }
0x75: {  	_ = 	snop  }
0x76: {  	[tilespmem:s21], [sflag:$0x1] =	stream.indirect_vreg.gather [hbm4b:s5+s2], $0x80, v3, vm0, $0xb8;
	[tilespmem:$0x10100] =	vst v63  }
0x77: {  	v3 =	vld [tilespmem:$0xA0];
	_ =	sdelay $0x4  }
0x78: {  	v62 =	vshll.u32 v3, $0x2  }
0x79: {  	v3 =	vand.u32 $0x7, v3;
	v4 =	vand.u32 $0xFFFFFFE0, v62  }
0x7a: {  	v3 =	vor.u32 v3, v4  }
0x7b: {  	v4 =	vperm.xlane v3, v0;
	_ =	sdelay $0x1  }
0x7c: {  	v4 =	vadd.s32 v1, v4;
	_ =	sdelay $0x1  }
0x7d: {  	v3 =	vperm.xlane v3, v2;
	_ =	sdelay $0x1  }
0x7e: {  	v3 =	vadd.s32 v1, v3  }
0x7f: {  	[tilespmem:s22], [sflag:$0x1] =	stream.indirect_vreg.gather [hbm4b:s4+s2], $0x80, v4, vm0, $0xb8;
	[tilespmem:$0x10100] =	vst v63  }
0x80: {  	_ = 	snop  }
0x81: {  	[tilespmem:s23], [sflag:$0x1] =	stream.indirect_vreg.gather [hbm4b:s5+s2], $0x80, v4, vm0, $0xb8;
	[tilespmem:$0x10100] =	vst v63  }
0x82: {  	_ = 	snop  }
0x83: {  	[tilespmem:s24], [sflag:$0x1] =	stream.indirect_vreg.gather [hbm4b:s4+s2], $0x80, v3, vm0, $0xb8;
	[tilespmem:$0x10100] =	vst v63  }
0x84: {  	_ = 	snop  }
0x85: {  	[tilespmem:s25], [sflag:$0x1] =	stream.indirect_vreg.gather [hbm4b:s5+s2], $0x80, v3, vm0, $0xb8;
	[tilespmem:$0x10100] =	vst v63  }
0x86: {  	v3 =	vld [tilespmem:$0xB0];
	_ =	sdelay $0x4  }
0x87: {  	v63 =	vshll.u32 v3, $0x2  }
0x88: {  	v3 =	vand.u32 $0x7, v3;
	v4 =	vand.u32 $0xFFFFFFE0, v63  }
0x89: {  	v3 =	vor.u32 v3, v4  }
0x8a: {  	v4 =	vperm.xlane v3, v0;
	_ =	sdelay $0x1  }
0x8b: {  	v4 =	vadd.s32 v1, v4;
	_ =	sdelay $0x1  }
0x8c: {  	v3 =	vperm.xlane v3, v2;
	_ =	sdelay $0x1  }
0x8d: {  	v3 =	vadd.s32 v1, v3  }
0x8e: {  	[tilespmem:s26], [sflag:$0x1] =	stream.indirect_vreg.gather [hbm4b:s4+s2], $0x80, v4, vm0, $0xb8;
	[tilespmem:$0x10100] =	vst v63  }
0x8f: {  	_ = 	snop  }
0x90: {  	[tilespmem:s28], [sflag:$0x1] =	stream.indirect_vreg.gather [hbm4b:s5+s2], $0x80, v4, vm0, $0xb8;
	[tilespmem:$0x10100] =	vst v63  }
0x91: {  	_ = 	snop  }
0x92: {  	[tilespmem:s29], [sflag:$0x1] =	stream.indirect_vreg.gather [hbm4b:s4+s2], $0x80, v3, vm0, $0xb8;
	[tilespmem:$0x10100] =	vst v63  }
0x93: {  	_ = 	snop  }
0x94: {  	[tilespmem:s30], [sflag:$0x1] =	stream.indirect_vreg.gather [hbm4b:s5+s2], $0x80, v3, vm0, $0xb8;
	[tilespmem:$0x10100] =	vst v63  }
0x95: {  	_ =	swait.ge [sflag:s31], $0x8000  }
0x96: {  	[sflag:s31] =	ssyncset.done $0x0  }
0x97: {  	[sflag:s31] =	ssyncadd.s32 $0xFFFF8000  }
0x98: {  	[hbm4b:s3+s2] =	stream.linear.scatter [tilespmem:s8], [sflag:$0x2], $0x8000, $0x38;
	[tilespmem:$0x10100] =	vst v63  }
0x99: {  	_ =	swait.ge [sflag:s31], $0x8000  }
0x9a: {  	[sflag:s31] =	ssyncset.done $0x0  }
0x9b: {  	s9 =	rddreg [dreg:$0x4];
	[sflag:s31] =	ssyncadd.s32 $0xFFFF8000  }
0x9c: {  	[hbm4b:s9+s2] =	stream.linear.scatter [tilespmem:s14], [sflag:$0x2], $0x8000, $0x38;
	[tilespmem:$0x10100] =	vst v63  }
0x9d: {  	p0 =	sne.s32 s6, $0x1;
	_ =	swait.ge [sflag:s1], $0x8000  }
.Ltmp0:
0x9e: {  	[sflag:s1] =	ssyncset.done $0x0;
	(pc) =	sbr.rel @p0 .LBB2_1-.Ltmp0, $4  }
0x9f: {  	[sflag:s1] =	ssyncadd.s32 $0xFFFF8000  }
0xa0: {  	_ =	swait.ge [sflag:s1], $0x8000  }
0xa1: {  	[sflag:s1] =	ssyncset.done $0x0  }
0xa2: {  	s6 =	sadd.s32 $0xFFFFFFFF, s6;
	[sflag:s1] =	ssyncadd.s32 $0xFFFF8000  }
0xa3: {  	_ =	sfence.sel $0x180000  }
0xa4: {  	[bflag:$0x0] =	sbarrier.arrive $0xFFFF  }
0xa5: {  	_ =	strace $0x9000004A  }
0xa6: {  	s0 =	stileid.u32;
	[bflag:$0x2] =	sbarrier.arrive $0xFFFF  }
0xa7: {  	p0 =	sne.s32 s0, $0x0;
	s0 =	rddreg [dreg:$0x2]  }
0xa8: {  	s0 =	sadd.s32 @!p0 $0x100000, s0  }
0xa9: {  	[sflag:s0] =	ssyncadd.tile.s32 @!p0 $0x1;
	_ =	shalt  }
.Lfunc_end2:
_tile_overlayer_lowered:
.L_overlay_start_2:
0xaa: {  	(tag) =	ssettag $0x2  }
0xab: {  	s0 =	rddreg [dreg:$0x0];
	s2 =	stileid.u32  }
0xac: {  	s1 =	rddreg [dreg:$0x1];
	p0 =	sne.s32 s2, $0x0  }
0xad: {  	s3 =	rddreg [dreg:$0x2];
	[bflag:$0x3] =	sbarrier.arrive $0xFFFF;
	s2 =	simm.s32 @!p0 $0x1C03  }
0xae: {  	[timem:s3], [sflag:s2] =	dma.local @!p0 [hbm:s0], s1  }
0xaf: {  	s0 =	simm.s32 @!p0 $0x3  }
0xb0: {  	_ =	swait.ge @!p0 [sflag:s0], s1  }
0xb1: {  	s1 =	ssub.s32 @!p0 $0x0, s1;
	[sflag:s0] =	ssyncset.done @!p0 $0x0  }
0xb2: {  	[sflag:s0] =	ssyncadd.s32 @!p0 s1  }
0xb3: {  	[bflag:$0x3] =	sbarrier.arrive $0xFFFF  }
0xb4: {  	_ =	shalt  }

// kernel: kernel.7.cloned.1.call-start
scs
__scs_entry_jumppad:
0x0: {  	(pc) =	sbr.rel $0x88, $3  }
0x1: {  	(tag) =	ssettag $0x0;
	lr =	simm.s32 $0x1  }
0x2: {  	[smem:$0x3F98] =	sst lr;
	_ =	strace $0xD0000000  }
0x3: {  	_ = 	snop  }
0x4: {  	_ = 	snop  }
0x5: {  	_ = 	snop  }
0x6: {  	_ = 	snop  }
0x7: {  	_ = 	snop  }
__scs_overlays_trampoline_lowered:
0x8: {  	[smem:$0x3FA7] =	sst s0  }
0x9: {  	[smem:$0x3FA8] =	sst s1  }
0xa: {  	[smem:$0x3FA9] =	sst s2  }
0xb: {  	[smem:$0x3FAA] =	sst s3  }
0xc: {  	[smem:$0x3FAB] =	sst s4  }
0xd: {  	[smem:$0x3FAC] =	sst s5  }
0xe: {  	[smem:$0x3FAD] =	sst s6  }
0xf: {  	[smem:$0x3FAE] =	sst s7  }
0x10: {  	[smem:$0x3FAF] =	sst s8  }
0x11: {  	[smem:$0x3FB0] =	sst s9;
	s0 =	simm.s32 @!p0 $0x0  }
0x12: {  	s1 =	sld [smem:$0x3F96];
	s0 =	simm.s32 @p0 $0x1  }
0x13: {  	[smem:$0x3FB1] =	sst s0;
	s0 =	simm.s32 @!p1 $0x0  }
0x14: {  	s2 =	sld [smem:$0x3F95];
	s0 =	simm.s32 @p1 $0x1  }
0x15: {  	[smem:$0x3FB2] =	sst s0;
	s0 =	simm.s32 @!p2 $0x0  }
0x16: {  	s3 =	sld [smem:$0x3FDB];
	s0 =	simm.s32 @p2 $0x1  }
0x17: {  	s4 =	simm.s32 $0x1BF5;
	[smem:$0x3FB4] =	sst s0  }
0x18: {  	s0 =	sld [smem:$0x3F97];
	_ =	swait.ge [sflag:s4], $0x0  }
0x19: {  	s7 =	sld [smem:$0x3F98]  }
0x1a: {  	s8 =	sadd.s32 $0xFFFFE003, lr  }
0x1b: {  	s9 =	sadd.s32 $0xFFFFFEF7, lr;
	s5 =	simm.s32 $0xFFFFFFFF;
	p2 =	slt.u32 s8, $0xFFFFF086  }
0x1c: {  	p1 =	slt.u32 s9, $0xF7A;
	s5 =	simm.s32 @!p2 $0x0  }
0x1d: {  	s5 =	simm.s32 @p1 $0x1;
	p0 =	seq.s32 s7, s2  }
0x1e: {  	s7 =	smul.u32 @!p0 $0xF7A, s2;
	p2 =	seq.s32 @!p0 s5, $0x0  }
0x1f: {  	s9 =	smul.u32 $0xF7A, s1;
	s8 =	simm.s32 @!p0 $0x1BF5;
	p2 =	por !p2, p0  }
0x20: {  	[sflag:s8] =	ssyncset.s32 @!p0 $0xFFFFF086;
	s6 =	sadd.s32 @!p0 s3, s7;
	s7 =	simm.s32 @!p0 $0x108  }
0x21: {  	s3 =	sadd.s32 s3, s9;
	s6 =	sadd.s32 @!p0 $0x88, s6;
	s7 =	simm.s32 @p2 $0x1082  }
0x22: {  	[simem:s7], [sflag:s8] =	dma.local @!p0 [hbm:s6], $0xF7A  }
0x23: {  	s9 =	sor.u32 $0xD0000000, s2;
	s6 =	simm.s32 $0x108;
	_ =	swait.ge @!p0 [sflag:s8], $0x0  }
0x24: {  	s3 =	sadd.s32 $0x88, s3;
	s6 =	simm.s32 @!p1 $0x1082;
	[sflag:s4] =	ssyncset.s32 $0xFFFFF086  }
0x25: {  	[simem:s6], [sflag:s4] =	dma.local [hbm:s3], $0xF7A  }
0x26: {  	[smem:$0x3F98] =	sst s1;
	(tag) =	ssettag s2;
	_ =	strace s9  }
0x27: {  	s1 =	sld [smem:$0x3FA8]  }
0x28: {  	s2 =	sld [smem:$0x3FA9]  }
0x29: {  	s4 =	sld [smem:$0x3FAB]  }
0x2a: {  	p0 =	seq.s32 s5, $0x0;
	s5 =	sld [smem:$0x3FAC]  }
0x2b: {  	s6 =	sld [smem:$0x3FAD]  }
0x2c: {  	s7 =	sld [smem:$0x3FAE]  }
0x2d: {  	s3 =	simm.s32 $0x108;
	s8 =	sld [smem:$0x3FAF]  }
0x2e: {  	s3 =	simm.s32 @!p0 $0x1082;
	s9 =	sld [smem:$0x3FB0]  }
0x2f: {  	lr =	sadd.s32 s0, s3;
	s0 =	sld [smem:$0x3FA7]  }
0x30: {  	s3 =	sld [smem:$0x3FAA]  }
0x31: {  	[smem:$0x3FB3] =	sst s10  }
0x32: {  	s10 =	sld [smem:$0x3FB1];
	_ =	sdelay $0x3  }
0x33: {  	p0 =	seq.s32 s10, $0x1;
	s10 =	sld [smem:$0x3FB3];
	_ =	sdelay $0x3  }
0x34: {  	[smem:$0x3FB3] =	sst s10  }
0x35: {  	s10 =	sld [smem:$0x3FB2];
	_ =	sdelay $0x3  }
0x36: {  	p1 =	seq.s32 s10, $0x1;
	s10 =	sld [smem:$0x3FB3];
	_ =	sdelay $0x3  }
0x37: {  	[smem:$0x3FB3] =	sst s10  }
0x38: {  	s10 =	sld [smem:$0x3FB4]  }
0x39: {  	_ = 	snop;
	(pc) =	sbr.ind lr, $3  }
0x3a: {  	_ = 	snop  }
0x3b: {  	_ = 	snop  }
0x3c: {  	p2 =	seq.s32 s10, $0x1;
	s10 =	sld [smem:$0x3FB3]  }
0x3d: {  	_ =	shalt  }
0x3e: {  	_ =	shalt  }
0x3f: {  	_ =	shalt  }
0x40: {  	_ =	shalt  }
0x41: {  	_ =	shalt  }
0x42: {  	_ =	shalt  }
0x43: {  	_ =	shalt  }
0x44: {  	_ =	shalt  }
0x45: {  	_ =	shalt  }
0x46: {  	_ =	shalt  }
0x47: {  	_ =	shalt  }
0x48: {  	_ =	shalt  }
0x49: {  	_ =	shalt  }
0x4a: {  	_ =	shalt  }
0x4b: {  	_ =	shalt  }
0x4c: {  	_ =	shalt  }
0x4d: {  	_ =	shalt  }
0x4e: {  	_ =	shalt  }
0x4f: {  	_ =	shalt  }
0x50: {  	_ =	shalt  }
0x51: {  	_ =	shalt  }
0x52: {  	_ =	shalt  }
0x53: {  	_ =	shalt  }
0x54: {  	_ =	shalt  }
0x55: {  	_ =	shalt  }
0x56: {  	_ =	shalt  }
0x57: {  	_ =	shalt  }
0x58: {  	_ =	shalt  }
0x59: {  	_ =	shalt  }
0x5a: {  	_ =	shalt  }
0x5b: {  	_ =	shalt  }
0x5c: {  	_ =	shalt  }
0x5d: {  	_ =	shalt  }
0x5e: {  	_ =	shalt  }
0x5f: {  	_ =	shalt  }
0x60: {  	_ =	shalt  }
0x61: {  	_ =	shalt  }
0x62: {  	_ =	shalt  }
0x63: {  	_ =	shalt  }
0x64: {  	_ =	shalt  }
0x65: {  	_ =	shalt  }
0x66: {  	_ =	shalt  }
0x67: {  	_ =	shalt  }
0x68: {  	_ =	shalt  }
0x69: {  	_ =	shalt  }
0x6a: {  	_ =	shalt  }
0x6b: {  	_ =	shalt  }
0x6c: {  	_ =	shalt  }
0x6d: {  	_ =	shalt  }
0x6e: {  	_ =	shalt  }
0x6f: {  	_ =	shalt  }
0x70: {  	_ =	shalt  }
0x71: {  	_ =	shalt  }
0x72: {  	_ =	shalt  }
0x73: {  	_ =	shalt  }
0x74: {  	_ =	shalt  }
0x75: {  	_ =	shalt  }
0x76: {  	_ =	shalt  }
0x77: {  	_ =	shalt  }
0x78: {  	_ =	shalt  }
0x79: {  	_ =	shalt  }
0x7a: {  	_ =	shalt  }
0x7b: {  	_ =	shalt  }
0x7c: {  	_ =	shalt  }
0x7d: {  	_ =	shalt  }
0x7e: {  	_ =	shalt  }
0x7f: {  	_ =	shalt  }
0x80: {  	_ =	shalt  }
0x81: {  	_ =	shalt  }
0x82: {  	_ =	shalt  }
0x83: {  	_ =	shalt  }
0x84: {  	_ =	shalt  }
0x85: {  	_ =	shalt  }
0x86: {  	_ =	shalt  }
0x87: {  	_ =	shalt  }
.Lfunc_end0:
.L_simem_size_0:
called_computation_lowered:
.L_overlay_start_0:
0x88: {  	s2 =	sld [smem:$0x3FD9]  }
0x89: {  	s3 =	sld [smem:$0x3FFE];
	_ =	sdelay $0x1  }
0x8a: {  	s1 =	srdreg.scid  }
0x8b: {  	s0 =	sand.u32 $0x1, s1  }
0x8c: {  	s16 =	sshll.u32 s0, $0xA;
	s2 =	sadd.s32 s3, s2  }
0x8d: {  	s2 =	sadd.s32 s2, s16  }
0x8e: {  	[smem:$0x3FBF] =	sst s2  }
0x8f: {  	_ = 	snop  }
0x90: {  	(tm) =	ssettm $0x1  }
0x91: {  	s17 =	sld [smem:$0x3FFB];
	_ =	sdelay $0x3  }
0x92: {  	_ =	strace s17  }
0x93: {  	s2 =	sld [smem:$0x3FFC];
	_ =	sdelay $0x3  }
0x94: {  	_ =	strace s2  }
0x95: {  	s2 =	sld [smem:$0x3FFD];
	_ =	sdelay $0x3  }
0x96: {  	_ =	strace s2  }
0x97: {  	_ =	strace $0x8FFFFFFF  }
0x98: {  	s18 =	sld [smem:$0x3FDB];
	_ =	sdelay $0x1  }
0x99: {  	s19 =	simm.s32 $_scs_section_size  }
0x9a: {  	s4 =	simm.s32 $_size__tile_overlayer_lowered;
	s5 =	simm.s32 $_tile_overlayer_lowered  }
0x9b: {  	s22 =	simm.s32 $0x1BFF;
	s21 =	sshll.u32 s5, $0x1;
	s2 =	sadd.s32 s19, s18  }
0x9c: {  	s6 =	simm.s32 $0x0;
	s20 =	sshll.u32 s4, $0x1;
	s4 =	sadd.s32 s21, s2  }
0x9d: {  	[timem:s6], [sflag:s22] =	dma.local [hbm:s4], s20  }
0x9e: {  	_ =	swait.ge [sflag:s22], s20  }
0x9f: {  	s3 =	ssub.s32 $0x0, s20;
	[sflag:s22] =	ssyncset.done $0x0  }
0xa0: {  	[sflag:s22] =	ssyncadd.s32 s3;
	_ =	sdelay $0x1  }
0xa1: {  	s23 =	simm.s32 $0x1B8B  }
0xa2: {  	_ =	swait.ge [sflag:s23], $0x1  }
0xa3: {  	[sflag:s23] =	ssyncset.done $0x0  }
0xa4: {  	s25 =	simm.s32 $0x1B8E;
	s24 =	sld [smem:$0x3FFE];
	[sflag:s23] =	ssyncadd.s32 $0xFFFFFFFF  }
0xa5: {  	s26 =	simm.s32 $execute0_lowered;
	[smem:$0x3FD2] =	sst s25  }
0xa6: {  	s4 =	sshll.u32 s26, $0x1;
	_ =	strace $0x80000046;
	[dreg:$0x1] =	wrdreg $0xFFFFFFFF  }
0xa7: {  	s28 =	simm.s32 $_size_execute0_lowered;
	s2 =	sadd.s32 s2, s4;
	[dreg:$0x0] =	wrdreg $0x0  }
0xa8: {  	s4 =	sshll.u32 s28, $0x1;
	[dreg:$0x2] =	wrdreg s2  }
0xa9: {  	[dreg:$0x3] =	wrdreg s4  }
0xaa: {  	[dreg:$0x4] =	wrdreg $0xC0  }
0xab: {  	_ =	task [dreg:s6], $0x5FFFF  }
0xac: {  	[dreg:$0x1] =	wrdreg $0xFFFFFFFF  }
0xad: {  	[dreg:$0x0] =	wrdreg $0x60  }
0xae: {  	[dreg:$0x2] =	wrdreg s24  }
0xaf: {  	[dreg:$0x3] =	wrdreg $0x9  }
0xb0: {  	_ =	task.clear_ibuf [dreg:s6], $0x4FFFF;
	_ =	strace $0x90000046  }
0xb1: {  	s29 =	simm.s32 $0x9;
	_ =	strace $0x80000048  }
0xb2: {  	_ =	swait.ge [sflag:s29], $0x1  }
0xb3: {  	[sflag:s29] =	ssyncadd.s32 $0xFFFFFFFF  }
0xb4: {  	_ =	strace $0x90000048  }
0xb5: {  	_ =	sfence  }
0xb6: {  	s30 =	sld [smem:$0x0];
	_ =	sdelay $0x2  }
0xb7: {  	s31 =	sshll.u32 s1, $0xD;
	s1 =	sshrl.u32 s1, $0x2  }
0xb8: {  	s3 =	sand.u32 $0x4000, s31;
	s1 =	sadd.s32 s1, s30  }
0xb9: {  	s0 =	sor.u32 s3, s0;
	s1 =	sshll.u32 s1, $0x11  }
0xba: {  	s0 =	sor.u32 s1, s0  }
0xbb: {  	s0 =	sadd.s32 $0x8F2B, s0  }
0xbc: {  	[sflag:s0] =	ssyncadd.remote.s32 $0x1  }
0xbd: {  	_ =	sfence.sel $0xFFFF  }
0xbe: {  	[dreg:$0x0] =	wrdreg $0xFFFFFFFF;
	(pc) =	sbr.abs _section_cstart, $3  }
0xbf: {  	[dreg:$0x1] =	wrdreg $0xFFFFFFFF  }
0xc0: {  	_ =	task.clear_ibuf [dreg:s6], $0x2FFFF;
	_ =	strace $0x9FFFFFFF  }
0xc1: {  	(tm) =	ssettm $0x7FFFFFFF  }
tec
execute0_lowered:
.L_overlay_start_1:
0x0: {  	(tag) =	ssettag $0x1  }
0x1: {  	s1 =	srdreg.scid  }
0x2: {  	s0 =	stileid.u32;
	s4 =	rddreg [dreg:$0x0]  }
0x3: {  	s18 =	simm.s32 $0x900;
	s19 =	simm.s32 $0x1100;
	s20 =	simm.s32 $0x1900  }
0x4: {  	s21 =	simm.s32 $0x2100;
	s22 =	simm.s32 $0x2900;
	s23 =	simm.s32 $0x3100  }
0x5: {  	s24 =	simm.s32 $0x3900;
	s7 =	simm.s32 $0x100;
	s25 =	simm.s32 $0x4100  }
0x6: {  	s8 =	simm.s32 $0x8100;
	s1 =	sand.u32 $0x1, s1;
	s2 =	sshll.u32 s0, $0x1  }
0x7: {  	s26 =	simm.s32 $0x4900;
	s3 =	sor.u32 s1, s2;
	s2 =	simm.s32 $0x0  }
0x8: {  	s9 =	simm.s32 $0x1;
	s11 =	simm.s32 $0x5900;
	[smem:$0x7FF] =	sst s2  }
0x9: {  	s12 =	simm.s32 $0x6100;
	_ =	strace $0x80000047;
	[dreg:$0x5] =	wrdreg s18  }
0xa: {  	s13 =	simm.s32 $0x6900;
	s14 =	simm.s32 $0x7100;
	[dreg:$0x6] =	wrdreg s19  }
0xb: {  	s15 =	simm.s32 $0x7900;
	s28 =	simm.s32 $0xE100;
	[dreg:$0x7] =	wrdreg s20  }
0xc: {  	s29 =	simm.s32 $0xE900;
	s30 =	simm.s32 $0xF100;
	[dreg:$0x8] =	wrdreg s21  }
0xd: {  	s31 =	simm.s32 $0xF900;
	s1 =	ssub.s32 $0x2, s1;
	[dreg:$0x9] =	wrdreg s22  }
0xe: {  	s5 =	sshll.u32 s3, $0x5;
	s3 =	sshll.u32 s3, $0xD;
	[dreg:$0xa] =	wrdreg s23  }
0xf: {  	s6 =	sshrl.u32 s1, $0x1;
	s5 =	sadd.s32 s5, s4;
	[dreg:$0xb] =	wrdreg s24  }
0x10: {  	s3 =	sand.u32 $0x1E000, s3;
	s1 =	ssub.s32 s1, s6;
	[dreg:$0xc] =	wrdreg s25  }
0x11: {  	s6 =	simm.s32 $0x3;
	[dreg:$0xd] =	wrdreg s26;
	s18 =	simm.s32 $0x9900  }
0x12: {  	s19 =	simm.s32 $0xA100;
	s20 =	simm.s32 $0xA900;
	s21 =	simm.s32 $0xB100  }
0x13: {  	s22 =	simm.s32 $0xB900;
	s23 =	simm.s32 $0xC100;
	s24 =	simm.s32 $0xC900  }
0x14: {  	s25 =	simm.s32 $0xD100;
	s3 =	sadd.s32 s3, s4;
	s5 =	sadd.s32 $0x21E00, s5  }
0x15: {  	s26 =	simm.s32 $0xD900;
	[dreg:$0x2] =	wrdreg s5;
	s16 =	sadd.s32 $0x1E00, s3  }
0x16: {  	v2 =	vlaneseq.u32;
	s17 =	sadd.s32 $0x2E00, s3;
	s3 =	sadd.s32 $0x22200, s4;
	s4 =	sadd.s32 $0x22300, s4  }
0x17: {  	vm0 =	vmmov $0xffff;
	v1 =	vshrl.u32 v2, $0x3;
	s5 =	smax.u32 s1, $0x1;
	s1 =	simm.s32 $0x2;
	[dreg:$0x3] =	wrdreg s16  }
0x18: {  	v0 =	vand.u32 $0x7, v2;
	v2 =	vor.u32 $0x8, v2;
	v1 =	vmul.u32 $0x8, v1;
	[dreg:$0x4] =	wrdreg s17;
	s16 =	simm.s32 $0x8900;
	s17 =	simm.s32 $0x9100  }
.LBB2_1:
0x19: {  	s0 =	rddreg [dreg:$0x2]  }
0x1a: {  	[tilespmem:s2], [sflag:$0x3] =	stream.linear.gather [hbm4b:s0+s2], $0x100, $0x38;
	[tilespmem:$0x10100] =	vst v63  }
0x1b: {  	_ =	swait.ge [sflag:s6], $0x100  }
0x1c: {  	[sflag:s6] =	ssyncset.done $0x0  }
0x1d: {  	s0 =	rddreg [dreg:$0x3];
	[sflag:s6] =	ssyncadd.s32 $0xFFFFFF00  }
0x1e: {  	[tilespmem:s7], [sflag:$0x1] =	stream.linear.gather [hbm4b:s0+s2], $0x8000, $0x38;
	[tilespmem:$0x10100] =	vst v63  }
0x1f: {  	s10 =	rddreg [dreg:$0x4]  }
0x20: {  	[tilespmem:s8], [sflag:$0x1] =	stream.linear.gather [hbm4b:s10+s2], $0x8000, $0x38;
	[tilespmem:$0x10100] =	vst v63  }
0x21: {  	_ =	swait.ge [sflag:s9], $0x8000  }
0x22: {  	[sflag:s9] =	ssyncset.done $0x0  }
0x23: {  	[sflag:s9] =	ssyncadd.s32 $0xFFFF8000  }
0x24: {  	v3 =	vld [tilespmem:$0x0];
	_ =	sdelay $0x4  }
0x25: {  	v4 =	vshll.u32 v3, $0x2  }
0x26: {  	v3 =	vand.u32 $0x7, v3;
	v4 =	vand.u32 $0xFFFFFFE0, v4  }
0x27: {  	v3 =	vor.u32 v3, v4  }
0x28: {  	v4 =	vperm.xlane v3, v0;
	_ =	sdelay $0x1  }
0x29: {  	v4 =	vadd.s32 v1, v4;
	_ =	sdelay $0x1  }
0x2a: {  	v3 =	vperm.xlane v3, v2;
	_ =	sdelay $0x1  }
0x2b: {  	v3 =	vadd.s32 v1, v3  }
0x2c: {  	[hbm4b:s3+s2] =	stream.indirect_vreg.scatter [tilespmem:s7], [sflag:$0x2], $0x80, v4, vm0, $0xb8;
	[tilespmem:$0x10100] =	vst v63  }
0x2d: {  	s0 =	rddreg [dreg:$0x5]  }
0x2e: {  	[hbm4b:s4+s2] =	stream.indirect_vreg.scatter [tilespmem:s0], [sflag:$0x2], $0x80, v4, vm0, $0xb8;
	[tilespmem:$0x10100] =	vst v63  }
0x2f: {  	s10 =	rddreg [dreg:$0x6]  }
0x30: {  	[hbm4b:s3+s2] =	stream.indirect_vreg.scatter [tilespmem:s10], [sflag:$0x2], $0x80, v3, vm0, $0xb8;
	[tilespmem:$0x10100] =	vst v63  }
0x31: {  	s0 =	rddreg [dreg:$0x7]  }
0x32: {  	[hbm4b:s4+s2] =	stream.indirect_vreg.scatter [tilespmem:s0], [sflag:$0x2], $0x80, v3, vm0, $0xb8;
	[tilespmem:$0x10100] =	vst v63  }
0x33: {  	v3 =	vld [tilespmem:$0x10];
	_ =	sdelay $0x4  }
0x34: {  	v57 =	vshll.u32 v3, $0x2  }
0x35: {  	v3 =	vand.u32 $0x7, v3;
	v4 =	vand.u32 $0xFFFFFFE0, v57  }
0x36: {  	v3 =	vor.u32 v3, v4  }
0x37: {  	v4 =	vperm.xlane v3, v0;
	_ =	sdelay $0x1  }
0x38: {  	v4 =	vadd.s32 v1, v4;
	_ =	sdelay $0x1  }
0x39: {  	v3 =	vperm.xlane v3, v2;
	_ =	sdelay $0x1  }
0x3a: {  	s0 =	rddreg [dreg:$0x8];
	v3 =	vadd.s32 v1, v3  }
0x3b: {  	[hbm4b:s3+s2] =	stream.indirect_vreg.scatter [tilespmem:s0], [sflag:$0x2], $0x80, v4, vm0, $0xb8;
	[tilespmem:$0x10100] =	vst v63  }
0x3c: {  	s10 =	rddreg [dreg:$0x9]  }
0x3d: {  	[hbm4b:s4+s2] =	stream.indirect_vreg.scatter [tilespmem:s10], [sflag:$0x2], $0x80, v4, vm0, $0xb8;
	[tilespmem:$0x10100] =	vst v63  }
0x3e: {  	s0 =	rddreg [dreg:$0xa]  }
0x3f: {  	[hbm4b:s3+s2] =	stream.indirect_vreg.scatter [tilespmem:s0], [sflag:$0x2], $0x80, v3, vm0, $0xb8;
	[tilespmem:$0x10100] =	vst v63  }
0x40: {  	s10 =	rddreg [dreg:$0xb]  }
0x41: {  	[hbm4b:s4+s2] =	stream.indirect_vreg.scatter [tilespmem:s10], [sflag:$0x2], $0x80, v3, vm0, $0xb8;
	[tilespmem:$0x10100] =	vst v63  }
0x42: {  	v3 =	vld [tilespmem:$0x20];
	_ =	sdelay $0x4  }
0x43: {  	v58 =	vshll.u32 v3, $0x2  }
0x44: {  	v3 =	vand.u32 $0x7, v3;
	v4 =	vand.u32 $0xFFFFFFE0, v58  }
0x45: {  	v3 =	vor.u32 v3, v4  }
0x46: {  	v4 =	vperm.xlane v3, v0;
	_ =	sdelay $0x1  }
0x47: {  	v4 =	vadd.s32 v1, v4;
	_ =	sdelay $0x1  }
0x48: {  	v3 =	vperm.xlane v3, v2;
	_ =	sdelay $0x1  }
0x49: {  	s0 =	rddreg [dreg:$0xc];
	v3 =	vadd.s32 v1, v3  }
0x4a: {  	[hbm4b:s3+s2] =	stream.indirect_vreg.scatter [tilespmem:s0], [sflag:$0x2], $0x80, v4, vm0, $0xb8;
	[tilespmem:$0x10100] =	vst v63  }
0x4b: {  	s10 =	rddreg [dreg:$0xd]  }
0x4c: {  	[hbm4b:s4+s2] =	stream.indirect_vreg.scatter [tilespmem:s10], [sflag:$0x2], $0x80, v4, vm0, $0xb8;
	[tilespmem:$0x10100] =	vst v63  }
0x4d: {  	s10 =	simm.s32 $0x5100  }
0x4e: {  	[hbm4b:s3+s2] =	stream.indirect_vreg.scatter [tilespmem:s10], [sflag:$0x2], $0x80, v3, vm0, $0xb8;
	[tilespmem:$0x10100] =	vst v63  }
0x4f: {  	_ = 	snop  }
0x50: {  	[hbm4b:s4+s2] =	stream.indirect_vreg.scatter [tilespmem:s11], [sflag:$0x2], $0x80, v3, vm0, $0xb8;
	[tilespmem:$0x10100] =	vst v63  }
0x51: {  	v3 =	vld [tilespmem:$0x30];
	_ =	sdelay $0x4  }
0x52: {  	v59 =	vshll.u32 v3, $0x2  }
0x53: {  	v3 =	vand.u32 $0x7, v3;
	v4 =	vand.u32 $0xFFFFFFE0, v59  }
0x54: {  	v3 =	vor.u32 v3, v4  }
0x55: {  	v4 =	vperm.xlane v3, v0;
	_ =	sdelay $0x1  }
0x56: {  	v4 =	vadd.s32 v1, v4;
	_ =	sdelay $0x1  }
0x57: {  	v3 =	vperm.xlane v3, v2;
	_ =	sdelay $0x1  }
0x58: {  	v3 =	vadd.s32 v1, v3  }
0x59: {  	[hbm4b:s3+s2] =	stream.indirect_vreg.scatter [tilespmem:s12], [sflag:$0x2], $0x80, v4, vm0, $0xb8;
	[tilespmem:$0x10100] =	vst v63  }
0x5a: {  	_ = 	snop  }
0x5b: {  	[hbm4b:s4+s2] =	stream.indirect_vreg.scatter [tilespmem:s13], [sflag:$0x2], $0x80, v4, vm0, $0xb8;
	[tilespmem:$0x10100] =	vst v63  }
0x5c: {  	_ = 	snop  }
0x5d: {  	[hbm4b:s3+s2] =	stream.indirect_vreg.scatter [tilespmem:s14], [sflag:$0x2], $0x80, v3, vm0, $0xb8;
	[tilespmem:$0x10100] =	vst v63  }
0x5e: {  	_ = 	snop  }
0x5f: {  	[hbm4b:s4+s2] =	stream.indirect_vreg.scatter [tilespmem:s15], [sflag:$0x2], $0x80, v3, vm0, $0xb8;
	[tilespmem:$0x10100] =	vst v63  }
0x60: {  	_ =	swait.ge [sflag:s9], $0x8000  }
0x61: {  	[sflag:s9] =	ssyncset.done $0x0  }
0x62: {  	[sflag:s9] =	ssyncadd.s32 $0xFFFF8000  }
0x63: {  	v3 =	vld [tilespmem:$0x80];
	_ =	sdelay $0x4  }
0x64: {  	v60 =	vshll.u32 v3, $0x2  }
0x65: {  	v3 =	vand.u32 $0x7, v3;
	v4 =	vand.u32 $0xFFFFFFE0, v60  }
0x66: {  	v3 =	vor.u32 v3, v4  }
0x67: {  	v4 =	vperm.xlane v3, v0;
	_ =	sdelay $0x1  }
0x68: {  	v4 =	vadd.s32 v1, v4;
	_ =	sdelay $0x1  }
0x69: {  	v3 =	vperm.xlane v3, v2;
	_ =	sdelay $0x1  }
0x6a: {  	v3 =	vadd.s32 v1, v3  }
0x6b: {  	[hbm4b:s3+s2] =	stream.indirect_vreg.scatter [tilespmem:s8], [sflag:$0x2], $0x80, v4, vm0, $0xb8;
	[tilespmem:$0x10100] =	vst v63  }
0x6c: {  	_ = 	snop  }
0x6d: {  	[hbm4b:s4+s2] =	stream.indirect_vreg.scatter [tilespmem:s16], [sflag:$0x2], $0x80, v4, vm0, $0xb8;
	[tilespmem:$0x10100] =	vst v63  }
0x6e: {  	_ = 	snop  }
0x6f: {  	[hbm4b:s3+s2] =	stream.indirect_vreg.scatter [tilespmem:s17], [sflag:$0x2], $0x80, v3, vm0, $0xb8;
	[tilespmem:$0x10100] =	vst v63  }
0x70: {  	_ = 	snop  }
0x71: {  	[hbm4b:s4+s2] =	stream.indirect_vreg.scatter [tilespmem:s18], [sflag:$0x2], $0x80, v3, vm0, $0xb8;
	[tilespmem:$0x10100] =	vst v63  }
0x72: {  	v3 =	vld [tilespmem:$0x90];
	_ =	sdelay $0x4  }
0x73: {  	v61 =	vshll.u32 v3, $0x2  }
0x74: {  	v3 =	vand.u32 $0x7, v3;
	v4 =	vand.u32 $0xFFFFFFE0, v61  }
0x75: {  	v3 =	vor.u32 v3, v4  }
0x76: {  	v4 =	vperm.xlane v3, v0;
	_ =	sdelay $0x1  }
0x77: {  	v4 =	vadd.s32 v1, v4;
	_ =	sdelay $0x1  }
0x78: {  	v3 =	vperm.xlane v3, v2;
	_ =	sdelay $0x1  }
0x79: {  	v3 =	vadd.s32 v1, v3  }
0x7a: {  	[hbm4b:s3+s2] =	stream.indirect_vreg.scatter [tilespmem:s19], [sflag:$0x2], $0x80, v4, vm0, $0xb8;
	[tilespmem:$0x10100] =	vst v63  }
0x7b: {  	_ = 	snop  }
0x7c: {  	[hbm4b:s4+s2] =	stream.indirect_vreg.scatter [tilespmem:s20], [sflag:$0x2], $0x80, v4, vm0, $0xb8;
	[tilespmem:$0x10100] =	vst v63  }
0x7d: {  	_ = 	snop  }
0x7e: {  	[hbm4b:s3+s2] =	stream.indirect_vreg.scatter [tilespmem:s21], [sflag:$0x2], $0x80, v3, vm0, $0xb8;
	[tilespmem:$0x10100] =	vst v63  }
0x7f: {  	_ = 	snop  }
0x80: {  	[hbm4b:s4+s2] =	stream.indirect_vreg.scatter [tilespmem:s22], [sflag:$0x2], $0x80, v3, vm0, $0xb8;
	[tilespmem:$0x10100] =	vst v63  }
0x81: {  	v3 =	vld [tilespmem:$0xA0];
	_ =	sdelay $0x4  }
0x82: {  	v62 =	vshll.u32 v3, $0x2  }
0x83: {  	v3 =	vand.u32 $0x7, v3;
	v4 =	vand.u32 $0xFFFFFFE0, v62  }
0x84: {  	v3 =	vor.u32 v3, v4  }
0x85: {  	v4 =	vperm.xlane v3, v0;
	_ =	sdelay $0x1  }
0x86: {  	v4 =	vadd.s32 v1, v4;
	_ =	sdelay $0x1  }
0x87: {  	v3 =	vperm.xlane v3, v2;
	_ =	sdelay $0x1  }
0x88: {  	v3 =	vadd.s32 v1, v3  }
0x89: {  	[hbm4b:s3+s2] =	stream.indirect_vreg.scatter [tilespmem:s23], [sflag:$0x2], $0x80, v4, vm0, $0xb8;
	[tilespmem:$0x10100] =	vst v63  }
0x8a: {  	_ = 	snop  }
0x8b: {  	[hbm4b:s4+s2] =	stream.indirect_vreg.scatter [tilespmem:s24], [sflag:$0x2], $0x80, v4, vm0, $0xb8;
	[tilespmem:$0x10100] =	vst v63  }
0x8c: {  	_ = 	snop  }
0x8d: {  	[hbm4b:s3+s2] =	stream.indirect_vreg.scatter [tilespmem:s25], [sflag:$0x2], $0x80, v3, vm0, $0xb8;
	[tilespmem:$0x10100] =	vst v63  }
0x8e: {  	_ = 	snop  }
0x8f: {  	[hbm4b:s4+s2] =	stream.indirect_vreg.scatter [tilespmem:s26], [sflag:$0x2], $0x80, v3, vm0, $0xb8;
	[tilespmem:$0x10100] =	vst v63  }
0x90: {  	v3 =	vld [tilespmem:$0xB0];
	_ =	sdelay $0x4  }
0x91: {  	v63 =	vshll.u32 v3, $0x2  }
0x92: {  	v3 =	vand.u32 $0x7, v3;
	v4 =	vand.u32 $0xFFFFFFE0, v63  }
0x93: {  	v3 =	vor.u32 v3, v4  }
0x94: {  	v4 =	vperm.xlane v3, v0;
	_ =	sdelay $0x1  }
0x95: {  	v4 =	vadd.s32 v1, v4;
	_ =	sdelay $0x1  }
0x96: {  	v3 =	vperm.xlane v3, v2;
	_ =	sdelay $0x1  }
0x97: {  	v3 =	vadd.s32 v1, v3  }
0x98: {  	[hbm4b:s3+s2] =	stream.indirect_vreg.scatter [tilespmem:s28], [sflag:$0x2], $0x80, v4, vm0, $0xb8;
	[tilespmem:$0x10100] =	vst v63  }
0x99: {  	_ = 	snop  }
0x9a: {  	[hbm4b:s4+s2] =	stream.indirect_vreg.scatter [tilespmem:s29], [sflag:$0x2], $0x80, v4, vm0, $0xb8;
	[tilespmem:$0x10100] =	vst v63  }
0x9b: {  	_ = 	snop  }
0x9c: {  	[hbm4b:s3+s2] =	stream.indirect_vreg.scatter [tilespmem:s30], [sflag:$0x2], $0x80, v3, vm0, $0xb8;
	[tilespmem:$0x10100] =	vst v63  }
0x9d: {  	_ = 	snop  }
0x9e: {  	[hbm4b:s4+s2] =	stream.indirect_vreg.scatter [tilespmem:s31], [sflag:$0x2], $0x80, v3, vm0, $0xb8;
	[tilespmem:$0x10100] =	vst v63  }
0x9f: {  	p0 =	sne.s32 s5, $0x1;
	_ =	swait.ge [sflag:s1], $0x8000  }
.Ltmp0:
0xa0: {  	[sflag:s1] =	ssyncset.done $0x0;
	(pc) =	sbr.rel @p0 .LBB2_1-.Ltmp0, $4  }
0xa1: {  	[sflag:s1] =	ssyncadd.s32 $0xFFFF8000  }
0xa2: {  	_ =	swait.ge [sflag:s1], $0x8000  }
0xa3: {  	[sflag:s1] =	ssyncset.done $0x0  }
0xa4: {  	s5 =	sadd.s32 $0xFFFFFFFF, s5;
	[sflag:s1] =	ssyncadd.s32 $0xFFFF8000  }
0xa5: {  	_ =	sfence.sel $0x180000  }
0xa6: {  	[bflag:$0x0] =	sbarrier.arrive $0xFFFF  }
0xa7: {  	_ =	strace $0x90000047  }
0xa8: {  	s0 =	stileid.u32;
	[bflag:$0x2] =	sbarrier.arrive $0xFFFF  }
0xa9: {  	p0 =	sne.s32 s0, $0x0;
	s0 =	rddreg [dreg:$0x1]  }
0xaa: {  	s0 =	sadd.s32 @!p0 $0x100000, s0  }
0xab: {  	[sflag:s0] =	ssyncadd.tile.s32 @!p0 $0x1;
	_ =	shalt  }
.Lfunc_end2:
_tile_overlayer_lowered:
.L_overlay_start_2:
0xac: {  	(tag) =	ssettag $0x2  }
0xad: {  	s0 =	rddreg [dreg:$0x0];
	s2 =	stileid.u32  }
0xae: {  	s1 =	rddreg [dreg:$0x1];
	p0 =	sne.s32 s2, $0x0  }
0xaf: {  	s3 =	rddreg [dreg:$0x2];
	[bflag:$0x3] =	sbarrier.arrive $0xFFFF;
	s2 =	simm.s32 @!p0 $0x1C03  }
0xb0: {  	[timem:s3], [sflag:s2] =	dma.local @!p0 [hbm:s0], s1  }
0xb1: {  	s0 =	simm.s32 @!p0 $0x3  }
0xb2: {  	_ =	swait.ge @!p0 [sflag:s0], s1  }
0xb3: {  	s1 =	ssub.s32 @!p0 $0x0, s1;
	[sflag:s0] =	ssyncset.done @!p0 $0x0  }
0xb4: {  	[sflag:s0] =	ssyncadd.s32 @!p0 s1  }
0xb5: {  	[bflag:$0x3] =	sbarrier.arrive $0xFFFF  }
0xb6: {  	_ =	shalt  }

</sc_bundles>
